<compile_context>
chip_gen: v7x
topology: tpu7x:2x2x1
jax: 0.10.2.dev20260603
libtpu: 0.0.44.dev20260713+nightly
codegen_flags: <defaults>
</compile_context>

<pallas_src>
import dataclasses
import functools

import jax
import jax.numpy as jnp
from jax import lax
from jax.experimental import pallas as pl
from jax.experimental.pallas import tpu as pltpu
from jax.experimental.pallas import tpu_sc as plsc

N = 10000
E = 160000
D_IN = 256
D_OUT = 256
H = 128
NC = 2
NS = 16
EPT = E // NS
CH = 100
IP = 2
NCHUNK = EPT // CH
CPP = NCHUNK // IP
NP = 10240
RPT = NP // NS
EPW = EPT // 16
W5 = RPT // 128

_mesh = plsc.VectorSubcoreMesh(core_axis_name="c", subcore_axis_name="s")


@functools.partial(
    pl.kernel,
    out_type=jax.ShapeDtypeStruct((NC, NS, W5, 128), jnp.float32),
    mesh=_mesh,
    scratch_types=[
        pltpu.VMEM((EPW, 16), jnp.int32),
        pltpu.VMEM((NP,), jnp.float32),
        pltpu.VMEM((NS, RPT), jnp.float32),
        pltpu.VMEM((W5, 128), jnp.float32),
        pltpu.VMEM_SHARED((NS, NP), jnp.float32),
        pltpu.SemaphoreType.DMA,
    ],
    compiler_params=dataclasses.replace(pltpu.CompilerParams(),
                                        needs_layout_passes=False),
)
def _deg_kernel(srcw, dstw, deg_out,
                idx_v, hist_v, merge_v, wide_v, hist_sh, sem):
    c = lax.axis_index("c")
    s = lax.axis_index("s")

    @pl.loop(0, NP // 16)
    def _(i):
        hist_v[pl.ds(i * 16, 16)] = jnp.zeros((16,), jnp.float32)

    @pl.when(c == 0)
    def _():
        pltpu.sync_copy(srcw.at[s], idx_v)

    @pl.when(c == 1)
    def _():
        pltpu.sync_copy(dstw.at[s], idx_v)

    @pl.loop(0, EPW)
    def _(j):
        idx16 = idx_v[j, :]
        cnt, last = plsc.scan_count(idx16)
        plsc.addupdate_scatter(hist_v, [idx16],
                               cnt.astype(jnp.float32), mask=last)

    pltpu.sync_copy(hist_v, hist_sh.at[s])
    plsc.subcore_barrier()
    pltpu.sync_copy(hist_sh.at[:, pl.ds(s * RPT, RPT)], merge_v)

    @pl.loop(0, RPT // 16)
    def _(k):
        def body(r, a):
            return a + merge_v[r, pl.ds(k * 16, 16)]
        acc = lax.fori_loop(0, NS, body, jnp.zeros((16,), jnp.float32))
        wide_v[k // 8, pl.ds((k % 8) * 16, 16)] = acc

    pltpu.sync_copy(wide_v, deg_out.at[c, s])


@functools.partial(
    pl.kernel,
    out_type=jax.ShapeDtypeStruct((NC, NP, H), jnp.float32),
    mesh=_mesh,
    scratch_types=[
        pltpu.VMEM((CPP, CH), jnp.int32),
        pltpu.VMEM((CPP, CH), jnp.int32),
        pltpu.VMEM((CH, H), jnp.float32),
        pltpu.VMEM((CH, H), jnp.float32),
        pltpu.VMEM_SHARED((NP, H), jnp.float32),
        pltpu.SemaphoreType.DMA,
        pltpu.SemaphoreType.DMA,
    ],
)
def _agg_kernel(h2, src3, src3p, dst3, agg_out,
                sidx_v, didx_v, rows_a, rows_b, acc_sh, sem_a, sem_b):
    c = lax.axis_index("c")
    s = lax.axis_index("s")

    @pl.loop(0, CH)
    def _(i):
        @pl.loop(0, H // 16)
        def _(k):
            rows_a[i, pl.ds(k * 16, 16)] = jnp.zeros((16,), jnp.float32)

    @pl.loop(0, RPT // 80)
    def _(k):
        pltpu.sync_copy(rows_a.at[pl.ds(0, 80)],
                        acc_sh.at[pl.ds(s * RPT + k * 80, 80)])

    plsc.subcore_barrier()

    @pl.loop(0, IP)
    def _(ph):
        @pl.when(c == 0)
        def _():
            pltpu.sync_copy(src3.at[s, ph], sidx_v)

        @pl.when(c == 1)
        def _():
            pltpu.sync_copy(src3p.at[s, ph], sidx_v)

        pltpu.sync_copy(dst3.at[s, ph], didx_v)

        pltpu.async_copy(h2.at[sidx_v.at[0]], rows_a, sem_a)

        @pl.loop(0, CPP // 2)
        def _(p):
            j0 = 2 * p
            pltpu.async_copy(h2.at[sidx_v.at[j0 + 1]], rows_b, sem_b)
            pltpu.make_async_copy(h2.at[sidx_v.at[j0]], rows_a, sem_a).wait()
            pltpu.sync_copy(rows_a, acc_sh.at[didx_v.at[j0]], add=True)

            @pl.when(p < CPP // 2 - 1)
            def _():
                pltpu.async_copy(h2.at[sidx_v.at[j0 + 2]], rows_a, sem_a)

            pltpu.make_async_copy(h2.at[sidx_v.at[j0 + 1]], rows_b, sem_b).wait()
            pltpu.sync_copy(rows_b, acc_sh.at[didx_v.at[j0 + 1]], add=True)

    plsc.subcore_barrier()
    pltpu.sync_copy(acc_sh.at[pl.ds(s * RPT, RPT)],
                    agg_out.at[c, pl.ds(s * RPT, RPT)])


def _mm_body(feat_ref, w_ref, ti_ref, wt_ref, out_ref):
    t = ti_ref[...]
    ws = jnp.where(t == 0, wt_ref[0],
                   jnp.where(t == 1, wt_ref[1],
                             jnp.where(t == 2, wt_ref[2], wt_ref[3])))
    x = feat_ref[...] * ws
    h = jnp.dot(x, w_ref[...], preferred_element_type=jnp.float32)
    out_ref[0] = h[:, :H]
    out_ref[1] = h[:, H:]


def _scale_body(h0_ref, deg_ref, out_ref):
    nl = lax.rsqrt(jnp.maximum(deg_ref[0], 1.0))
    out_ref[0] = h0_ref[0] * nl
    out_ref[1] = h0_ref[1] * nl


def _fin_body(agg_ref, deg_ref, bias_ref, out_ref):
    nr = lax.rsqrt(jnp.maximum(deg_ref[0], 1.0))
    h = jnp.concatenate([agg_ref[0], agg_ref[1]], axis=1)
    out_ref[...] = h * nr + bias_ref[...]


_R = 2000


def kernel(feat, edge_index, type_info, weight, bias, weight_type):
    src = edge_index[0]
    dst = edge_index[1]
    src3 = src.reshape(NS, NCHUNK, CH)
    dst3 = dst.reshape(NS, NCHUNK, CH)
    src3p = src3 + N

    degw = _deg_kernel(src.reshape(NS, EPW, 16), dst.reshape(NS, EPW, 16))
    deg = degw.reshape(NC, NP)[:, :N].reshape(NC, N, 1)

    ti = type_info.reshape(N, 1)
    h0 = pl.pallas_call(
        _mm_body,
        grid=(N // _R,),
        in_specs=[
            pl.BlockSpec((_R, D_IN), lambda i: (i, 0)),
            pl.BlockSpec((D_IN, D_OUT), lambda i: (0, 0)),
            pl.BlockSpec((_R, 1), lambda i: (i, 0)),
            pl.BlockSpec(memory_space=pltpu.SMEM),
        ],
        out_specs=pl.BlockSpec((NC, _R, H), lambda i: (0, i, 0)),
        out_shape=jax.ShapeDtypeStruct((NC, N, H), jnp.float32),
    )(feat, weight, ti, weight_type)

    h2 = pl.pallas_call(
        _scale_body,
        grid=(N // _R,),
        in_specs=[
            pl.BlockSpec((NC, _R, H), lambda i: (0, i, 0)),
            pl.BlockSpec((1, _R, 1), lambda i: (0, i, 0)),
        ],
        out_specs=pl.BlockSpec((NC, _R, H), lambda i: (0, i, 0)),
        out_shape=jax.ShapeDtypeStruct((NC, N, H), jnp.float32),
    )(h0, deg)

    agg2 = _agg_kernel(h2.reshape(NC * N, H),
                       src3.reshape(NS, IP, CPP, CH),
                       src3p.reshape(NS, IP, CPP, CH),
                       dst3.reshape(NS, IP, CPP, CH))

    out = pl.pallas_call(
        _fin_body,
        grid=(N // _R,),
        in_specs=[
            pl.BlockSpec((NC, _R, H), lambda i: (0, i, 0)),
            pl.BlockSpec((1, _R, 1), lambda i: (1, i, 0)),
            pl.BlockSpec((1, D_OUT), lambda i: (0, 0)),
        ],
        out_specs=pl.BlockSpec((_R, D_OUT), lambda i: (i, 0)),
        out_shape=jax.ShapeDtypeStruct((N, D_OUT), jnp.float32),
    )(agg2, deg, bias.reshape(1, D_OUT))
    return out

# --- scband reference (transcript-rebuilt; emitter-appended) ---
"""Pipeline reference for scband-reconv-27092653703583 (READ-ONLY COPY).

The authoritative reference and input builder live on the scoring server;
editing this copy changes nothing except your own understanding.
"""

import jax, jax.numpy as jnp
import numpy as np

N = 10000
E = 160000
D_IN = 256
D_OUT = 256
NUM_TYPE = 4


def setup_inputs(seed: int = 0) -> dict:
    key = jax.random.key(seed)
    k1, k2, k3, k4 = jax.random.split(key, 4)
    feat = jax.random.normal(k1, (N, D_IN), dtype=jnp.float32)
    edge_index = jax.random.randint(k2, (2, E), 0, N, dtype=jnp.int32)
    type_info = jax.random.randint(k3, (N,), 0, NUM_TYPE, dtype=jnp.int32)
    # xavier_uniform for weight [D_IN, D_OUT]
    limit = float(np.sqrt(6.0 / (D_IN + D_OUT)))
    weight = jax.random.uniform(k4, (D_IN, D_OUT), dtype=jnp.float32, minval=-limit, maxval=limit)
    bias = jnp.zeros((D_OUT,), dtype=jnp.float32)
    weight_type = jnp.ones((NUM_TYPE,), dtype=jnp.float32)
    return {"feat": feat, "edge_index": edge_index, "type_info": type_info,
            "weight": weight, "bias": bias, "weight_type": weight_type}


def reference(feat, edge_index, type_info, weight, bias, weight_type):
    src = edge_index[0]
    dst = edge_index[1]
    # norm == 'both': left normalize by out-degree^-0.5
    degs_out = jnp.clip(jnp.bincount(src, length=N).astype(jnp.float32), 1.0)
    norm_l = jnp.power(degs_out, -0.5)
    h = feat * norm_l[:, None]
    # linear transform
    h = jnp.matmul(h, weight)
    # per-node type scaling
    h = h * weight_type[type_info][:, None]
    # message passing: copy_u + sum aggregation (scatter-add over dst)
    msg = jnp.take(h, src, axis=0)
    rst = jax.ops.segment_sum(msg, dst, num_segments=N)
    # right normalize by in-degree^-0.5
    degs_in = jnp.clip(jnp.bincount(dst, length=N).astype(jnp.float32), 1.0)
    norm_r = jnp.power(degs_in, -0.5)
    rst = rst * norm_r[:, None]
    # bias
    rst = rst + bias
    return rst

if __name__ == "__main__":
    import jax
    _d = setup_inputs()
    print(jax.jit(kernel)(*tuple(_d.values())))

</pallas_src>

<mosaic_0001>
#map = affine_map<(d0, d1) -> (0, 0)>
#map1 = affine_map<(d0, d1) -> (0, 0, 0, 0)>
#map2 = affine_map<(d0, d1) -> (0, 0, 0)>
module attributes {stable_mosaic.version = 14 : i64} {
  func.func @_agg_kernel(%arg0: i32, %arg1: i32, %arg2: memref<20000x128xf32, #tpu.memory_space<hbm>>, %arg3: memref<16x2x50x100xi32, #tpu.memory_space<hbm>>, %arg4: memref<16x2x50x100xi32, #tpu.memory_space<hbm>>, %arg5: memref<16x2x50x100xi32, #tpu.memory_space<hbm>>, %arg6: memref<2x10240x128xf32, #tpu.memory_space<hbm>>, %arg7: memref<50x100xi32, #tpu.memory_space<vmem>>, %arg8: memref<50x100xi32, #tpu.memory_space<vmem>>, %arg9: memref<100x128xf32, #tpu.memory_space<vmem>>, %arg10: memref<100x128xf32, #tpu.memory_space<vmem>>, %arg11: memref<10240x128xf32, #tpu.memory_space<vmem_shared>>, %arg12: memref<!tpu.dma_semaphore, #tpu.memory_space<semaphore_mem>>, %arg13: memref<!tpu.dma_semaphore, #tpu.memory_space<semaphore_mem>>) attributes {dimension_semantics = [#tpu.dimension_semantics<core_parallel>, #tpu.dimension_semantics<subcore_parallel>], iteration_bounds = array<i64: 2, 16>, scalar_prefetch = 0 : i64, scratch_operands = 7 : i64, tpu.core_type = #tpu.core_type<sc_vector_subcore>, window_params = [{transform_indices = #map}, {transform_indices = #map1}, {transform_indices = #map1}, {transform_indices = #map1}, {transform_indices = #map2}]} {
    %scan3A = arith.constant 0 : i32
    %scan3A_0 = arith.constant 100 : i32
    %scan3A_1 = arith.addi %scan3A, %scan3A_0 : i32
    %scan3A_2 = arith.constant 1 : i32
    scf.for %scan3A_18 = %scan3A to %scan3A_1 step %scan3A_2  : i32 {
      %mul3A_19 = arith.constant 1 : i32
      %mul3A_20 = arith.muli %scan3A_18, %mul3A_19 : i32
      %add3A = arith.constant 0 : i32
      %add3A_21 = arith.addi %add3A, %mul3A_20 : i32
      %scan3A_22 = arith.constant 0 : i32
      %scan3A_23 = arith.constant 8 : i32
      %scan3A_24 = arith.addi %scan3A_22, %scan3A_23 : i32
      %scan3A_25 = arith.constant 1 : i32
      scf.for %scan3A_27 = %scan3A_22 to %scan3A_24 step %scan3A_25  : i32 {
        %mul3A_28 = arith.constant 1 : i32
        %mul3A_29 = arith.muli %scan3A_27, %mul3A_28 : i32
        %add3A_30 = arith.constant 0 : i32
        %add3A_31 = arith.addi %add3A_30, %mul3A_29 : i32
        %broadcast_in_dim3A = arith.constant 0.000000e+00 : f32
        %broadcast_in_dim3A_32 = vector.broadcast %broadcast_in_dim3A : f32 to vector<16xf32>
        %mul3A_33 = arith.constant 16 : i32
        %mul3A_34 = arith.muli %add3A_31, %mul3A_33 : i32
        %swap3A = arith.index_cast %add3A_21 : i32 to index
        %swap3A_35 = arith.index_cast %mul3A_34 : i32 to index
        %swap3A_36 = tpu.vector_load %arg9[%swap3A, %swap3A_35] {strides = array<i32>} : memref<100x128xf32, #tpu.memory_space<vmem>>, vector<1x16xf32>,
        %swap3A_37 = vector.shape_cast %swap3A_36 : vector<1x16xf32> to vector<16xf32>
        %swap3A_38 = vector.shape_cast %broadcast_in_dim3A_32 : vector<16xf32> to vector<1x16xf32>
        tpu.vector_store %arg9[%swap3A, %swap3A_35], %swap3A_38 {strides = array<i32>} : memref<100x128xf32, #tpu.memory_space<vmem>>, vector<1x16xf32>,
      }
      %scan3A_26 = arith.constant 8 : i32
    }
    %scan3A_3 = arith.constant 100 : i32
    %scan3A_4 = arith.constant 0 : i32
    %scan3A_5 = arith.constant 8 : i32
    %scan3A_6 = arith.addi %scan3A_4, %scan3A_5 : i32
    %scan3A_7 = arith.constant 1 : i32
    scf.for %scan3A_18 = %scan3A_4 to %scan3A_6 step %scan3A_7  : i32 {
      %mul3A_19 = arith.constant 1 : i32
      %mul3A_20 = arith.muli %scan3A_18, %mul3A_19 : i32
      %add3A = arith.constant 0 : i32
      %add3A_21 = arith.addi %add3A, %mul3A_20 : i32
      %mul3A_22 = arith.constant 640 : i32
      %mul3A_23 = arith.muli %arg1, %mul3A_22 : i32
      %mul3A_24 = arith.constant 80 : i32
      %mul3A_25 = arith.muli %add3A_21, %mul3A_24 : i32
      %add3A_26 = arith.addi %mul3A_23, %mul3A_25 : i32
      "tpu.region"() ({
        %run_scoped3A = tpu.sem_alloc : memref<!tpu.dma_semaphore, #tpu.memory_space<semaphore_mem>>
        %dma_start3A = arith.constant 0 : i32
        %dma_start3A_27 = arith.constant 0 : i32
        %dma_start3A_28 = tpu.memref_slice %arg9[%dma_start3A, %dma_start3A_27] : memref<100x128xf32, #tpu.memory_space<vmem>> -> memref<80x128xf32, #tpu.memory_space<vmem>>
        %dma_start3A_29 = arith.constant 0 : i32
        %dma_start3A_30 = tpu.memref_slice %arg11[%add3A_26, %dma_start3A_29] : memref<10240x128xf32, #tpu.memory_space<vmem_shared>> -> memref<80x128xf32, #tpu.memory_space<vmem_shared>>
        %dma_start3A_31 = arith.constant 0 : i32
        %dma_start3A_32 = tpu.memref_slice %arg11[%add3A_26, %dma_start3A_31] : memref<10240x128xf32, #tpu.memory_space<vmem_shared>> -> memref<80x128xf32, #tpu.memory_space<vmem_shared>>
        %dma_start3A_33 = arith.constant 0 : i32
        %dma_start3A_34 = arith.constant 0 : i32
        %dma_start3A_35 = tpu.memref_slice %arg9[%dma_start3A_33, %dma_start3A_34] : memref<100x128xf32, #tpu.memory_space<vmem>> -> memref<80x128xf32, #tpu.memory_space<vmem>>
        tpu.enqueue_dma source(%dma_start3A_35 : memref<80x128xf32, #tpu.memory_space<vmem>>) target(%dma_start3A_32 : memref<80x128xf32, #tpu.memory_space<vmem_shared>>) target_semaphore(%run_scoped3A : memref<!tpu.dma_semaphore, #tpu.memory_space<semaphore_mem>>)
        %dma_wait3A = arith.constant 0 : i32
        %dma_wait3A_36 = arith.constant 0 : i32
        %dma_wait3A_37 = tpu.memref_slice %arg9[%dma_wait3A, %dma_wait3A_36] : memref<100x128xf32, #tpu.memory_space<vmem>> -> memref<80x128xf32, #tpu.memory_space<vmem>>
        %dma_wait3A_38 = arith.constant 0 : i32
        %dma_wait3A_39 = tpu.memref_slice %arg11[%add3A_26, %dma_wait3A_38] : memref<10240x128xf32, #tpu.memory_space<vmem_shared>> -> memref<80x128xf32, #tpu.memory_space<vmem_shared>>
        %dma_wait3A_40 = arith.constant 0 : i32
        %dma_wait3A_41 = tpu.memref_slice %arg11[%add3A_26, %dma_wait3A_40] : memref<10240x128xf32, #tpu.memory_space<vmem_shared>> -> memref<80x128xf32, #tpu.memory_space<vmem_shared>>
        %dma_wait3A_42 = arith.constant 0 : i32
        %dma_wait3A_43 = arith.constant 0 : i32
        %dma_wait3A_44 = tpu.memref_slice %arg9[%dma_wait3A_42, %dma_wait3A_43] : memref<100x128xf32, #tpu.memory_space<vmem>> -> memref<80x128xf32, #tpu.memory_space<vmem>>
        tpu.wait_dma2 semaphore(%run_scoped3A : memref<!tpu.dma_semaphore, #tpu.memory_space<semaphore_mem>>) src(%dma_wait3A_44 : memref<80x128xf32, #tpu.memory_space<vmem>>) dst(%dma_wait3A_41 : memref<80x128xf32, #tpu.memory_space<vmem_shared>>)
        tpu.yield
      }) : () -> ()
    }
    %scan3A_8 = arith.constant 8 : i32
    %barrier3A = arith.constant 0 : index
    tpu.barrier barrier_id(%barrier3A)
    %scan3A_9 = arith.constant 0 : i32
    %scan3A_10 = arith.constant 2 : i32
    %scan3A_11 = arith.addi %scan3A_9, %scan3A_10 : i32
    %scan3A_12 = arith.constant 1 : i32
    scf.for %scan3A_18 = %scan3A_9 to %scan3A_11 step %scan3A_12  : i32 {
      %mul3A_19 = arith.constant 1 : i32
      %mul3A_20 = arith.muli %scan3A_18, %mul3A_19 : i32
      %add3A = arith.constant 0 : i32
      %add3A_21 = arith.addi %add3A, %mul3A_20 : i32
      %eq3A = arith.constant 0 : i32
      %eq3A_22 = arith.cmpi eq, %arg0, %eq3A : i32
      %convert_element_type3A = arith.extui %eq3A_22 : i1 to i32
      %cond3A = arith.constant 0 : i32
      %cond3A_23 = arith.cmpi ne, %convert_element_type3A, %cond3A : i32
      scf.if %cond3A_23 {
        "tpu.region"() ({
          %run_scoped3A = tpu.sem_alloc : memref<!tpu.dma_semaphore, #tpu.memory_space<semaphore_mem>>
          %dma_start3A_40 = arith.constant 0 : i32
          %dma_start3A_41 = arith.constant 0 : i32
          %dma_start3A_42 = tpu.memref_slice %arg3[%arg1, %add3A_21, %dma_start3A_40, %dma_start3A_41] : memref<16x2x50x100xi32, #tpu.memory_space<hbm>> -> memref<1x1x50x100xi32, #tpu.memory_space<hbm>>
          %dma_start3A_43 = tpu.memref_squeeze %dma_start3A_42 : memref<1x1x50x100xi32, #tpu.memory_space<hbm>> -> memref<50x100xi32, #tpu.memory_space<hbm>>
          %dma_start3A_44 = arith.constant 0 : i32
          %dma_start3A_45 = arith.constant 0 : i32
          %dma_start3A_46 = tpu.memref_slice %arg3[%arg1, %add3A_21, %dma_start3A_44, %dma_start3A_45] : memref<16x2x50x100xi32, #tpu.memory_space<hbm>> -> memref<1x1x50x100xi32, #tpu.memory_space<hbm>>
          %dma_start3A_47 = tpu.memref_squeeze %dma_start3A_46 : memref<1x1x50x100xi32, #tpu.memory_space<hbm>> -> memref<50x100xi32, #tpu.memory_space<hbm>>
          tpu.enqueue_dma source(%dma_start3A_47 : memref<50x100xi32, #tpu.memory_space<hbm>>) target(%arg7 : memref<50x100xi32, #tpu.memory_space<vmem>>) target_semaphore(%run_scoped3A : memref<!tpu.dma_semaphore, #tpu.memory_space<semaphore_mem>>)
          %dma_wait3A = arith.constant 0 : i32
          %dma_wait3A_48 = arith.constant 0 : i32
          %dma_wait3A_49 = tpu.memref_slice %arg3[%arg1, %add3A_21, %dma_wait3A, %dma_wait3A_48] : memref<16x2x50x100xi32, #tpu.memory_space<hbm>> -> memref<1x1x50x100xi32, #tpu.memory_space<hbm>>
          %dma_wait3A_50 = tpu.memref_squeeze %dma_wait3A_49 : memref<1x1x50x100xi32, #tpu.memory_space<hbm>> -> memref<50x100xi32, #tpu.memory_space<hbm>>
          %dma_wait3A_51 = arith.constant 0 : i32
          %dma_wait3A_52 = arith.constant 0 : i32
          %dma_wait3A_53 = tpu.memref_slice %arg3[%arg1, %add3A_21, %dma_wait3A_51, %dma_wait3A_52] : memref<16x2x50x100xi32, #tpu.memory_space<hbm>> -> memref<1x1x50x100xi32, #tpu.memory_space<hbm>>
          %dma_wait3A_54 = tpu.memref_squeeze %dma_wait3A_53 : memref<1x1x50x100xi32, #tpu.memory_space<hbm>> -> memref<50x100xi32, #tpu.memory_space<hbm>>
          tpu.wait_dma2 semaphore(%run_scoped3A : memref<!tpu.dma_semaphore, #tpu.memory_space<semaphore_mem>>) src(%dma_wait3A_54 : memref<50x100xi32, #tpu.memory_space<hbm>>) dst(%arg7 : memref<50x100xi32, #tpu.memory_space<vmem>>)
          tpu.yield
        }) : () -> ()
      } else {
      }
      %eq3A_24 = arith.constant 1 : i32
      %eq3A_25 = arith.cmpi eq, %arg0, %eq3A_24 : i32
      %convert_element_type3A_26 = arith.extui %eq3A_25 : i1 to i32
      %cond3A_27 = arith.constant 0 : i32
      %cond3A_28 = arith.cmpi ne, %convert_element_type3A_26, %cond3A_27 : i32
      scf.if %cond3A_28 {
        "tpu.region"() ({
          %run_scoped3A = tpu.sem_alloc : memref<!tpu.dma_semaphore, #tpu.memory_space<semaphore_mem>>
          %dma_start3A_40 = arith.constant 0 : i32
          %dma_start3A_41 = arith.constant 0 : i32
          %dma_start3A_42 = tpu.memref_slice %arg4[%arg1, %add3A_21, %dma_start3A_40, %dma_start3A_41] : memref<16x2x50x100xi32, #tpu.memory_space<hbm>> -> memref<1x1x50x100xi32, #tpu.memory_space<hbm>>
          %dma_start3A_43 = tpu.memref_squeeze %dma_start3A_42 : memref<1x1x50x100xi32, #tpu.memory_space<hbm>> -> memref<50x100xi32, #tpu.memory_space<hbm>>
          %dma_start3A_44 = arith.constant 0 : i32
          %dma_start3A_45 = arith.constant 0 : i32
          %dma_start3A_46 = tpu.memref_slice %arg4[%arg1, %add3A_21, %dma_start3A_44, %dma_start3A_45] : memref<16x2x50x100xi32, #tpu.memory_space<hbm>> -> memref<1x1x50x100xi32, #tpu.memory_space<hbm>>
          %dma_start3A_47 = tpu.memref_squeeze %dma_start3A_46 : memref<1x1x50x100xi32, #tpu.memory_space<hbm>> -> memref<50x100xi32, #tpu.memory_space<hbm>>
          tpu.enqueue_dma source(%dma_start3A_47 : memref<50x100xi32, #tpu.memory_space<hbm>>) target(%arg7 : memref<50x100xi32, #tpu.memory_space<vmem>>) target_semaphore(%run_scoped3A : memref<!tpu.dma_semaphore, #tpu.memory_space<semaphore_mem>>)
          %dma_wait3A = arith.constant 0 : i32
          %dma_wait3A_48 = arith.constant 0 : i32
          %dma_wait3A_49 = tpu.memref_slice %arg4[%arg1, %add3A_21, %dma_wait3A, %dma_wait3A_48] : memref<16x2x50x100xi32, #tpu.memory_space<hbm>> -> memref<1x1x50x100xi32, #tpu.memory_space<hbm>>
          %dma_wait3A_50 = tpu.memref_squeeze %dma_wait3A_49 : memref<1x1x50x100xi32, #tpu.memory_space<hbm>> -> memref<50x100xi32, #tpu.memory_space<hbm>>
          %dma_wait3A_51 = arith.constant 0 : i32
          %dma_wait3A_52 = arith.constant 0 : i32
          %dma_wait3A_53 = tpu.memref_slice %arg4[%arg1, %add3A_21, %dma_wait3A_51, %dma_wait3A_52] : memref<16x2x50x100xi32, #tpu.memory_space<hbm>> -> memref<1x1x50x100xi32, #tpu.memory_space<hbm>>
          %dma_wait3A_54 = tpu.memref_squeeze %dma_wait3A_53 : memref<1x1x50x100xi32, #tpu.memory_space<hbm>> -> memref<50x100xi32, #tpu.memory_space<hbm>>
          tpu.wait_dma2 semaphore(%run_scoped3A : memref<!tpu.dma_semaphore, #tpu.memory_space<semaphore_mem>>) src(%dma_wait3A_54 : memref<50x100xi32, #tpu.memory_space<hbm>>) dst(%arg7 : memref<50x100xi32, #tpu.memory_space<vmem>>)
          tpu.yield
        }) : () -> ()
      } else {
      }
      "tpu.region"() ({
        %run_scoped3A = tpu.sem_alloc : memref<!tpu.dma_semaphore, #tpu.memory_space<semaphore_mem>>
        %dma_start3A_40 = arith.constant 0 : i32
        %dma_start3A_41 = arith.constant 0 : i32
        %dma_start3A_42 = tpu.memref_slice %arg5[%arg1, %add3A_21, %dma_start3A_40, %dma_start3A_41] : memref<16x2x50x100xi32, #tpu.memory_space<hbm>> -> memref<1x1x50x100xi32, #tpu.memory_space<hbm>>
        %dma_start3A_43 = tpu.memref_squeeze %dma_start3A_42 : memref<1x1x50x100xi32, #tpu.memory_space<hbm>> -> memref<50x100xi32, #tpu.memory_space<hbm>>
        %dma_start3A_44 = arith.constant 0 : i32
        %dma_start3A_45 = arith.constant 0 : i32
        %dma_start3A_46 = tpu.memref_slice %arg5[%arg1, %add3A_21, %dma_start3A_44, %dma_start3A_45] : memref<16x2x50x100xi32, #tpu.memory_space<hbm>> -> memref<1x1x50x100xi32, #tpu.memory_space<hbm>>
        %dma_start3A_47 = tpu.memref_squeeze %dma_start3A_46 : memref<1x1x50x100xi32, #tpu.memory_space<hbm>> -> memref<50x100xi32, #tpu.memory_space<hbm>>
        tpu.enqueue_dma source(%dma_start3A_47 : memref<50x100xi32, #tpu.memory_space<hbm>>) target(%arg8 : memref<50x100xi32, #tpu.memory_space<vmem>>) target_semaphore(%run_scoped3A : memref<!tpu.dma_semaphore, #tpu.memory_space<semaphore_mem>>)
        %dma_wait3A = arith.constant 0 : i32
        %dma_wait3A_48 = arith.constant 0 : i32
        %dma_wait3A_49 = tpu.memref_slice %arg5[%arg1, %add3A_21, %dma_wait3A, %dma_wait3A_48] : memref<16x2x50x100xi32, #tpu.memory_space<hbm>> -> memref<1x1x50x100xi32, #tpu.memory_space<hbm>>
        %dma_wait3A_50 = tpu.memref_squeeze %dma_wait3A_49 : memref<1x1x50x100xi32, #tpu.memory_space<hbm>> -> memref<50x100xi32, #tpu.memory_space<hbm>>
        %dma_wait3A_51 = arith.constant 0 : i32
        %dma_wait3A_52 = arith.constant 0 : i32
        %dma_wait3A_53 = tpu.memref_slice %arg5[%arg1, %add3A_21, %dma_wait3A_51, %dma_wait3A_52] : memref<16x2x50x100xi32, #tpu.memory_space<hbm>> -> memref<1x1x50x100xi32, #tpu.memory_space<hbm>>
        %dma_wait3A_54 = tpu.memref_squeeze %dma_wait3A_53 : memref<1x1x50x100xi32, #tpu.memory_space<hbm>> -> memref<50x100xi32, #tpu.memory_space<hbm>>
        tpu.wait_dma2 semaphore(%run_scoped3A : memref<!tpu.dma_semaphore, #tpu.memory_space<semaphore_mem>>) src(%dma_wait3A_54 : memref<50x100xi32, #tpu.memory_space<hbm>>) dst(%arg8 : memref<50x100xi32, #tpu.memory_space<vmem>>)
        tpu.yield
      }) : () -> ()
      %dma_start3A = arith.constant 0 : i32
      %dma_start3A_29 = arith.constant 0 : i32
      %dma_start3A_30 = tpu.memref_slice %arg7[%dma_start3A, %dma_start3A_29] : memref<50x100xi32, #tpu.memory_space<vmem>> -> memref<1x100xi32, #tpu.memory_space<vmem>>
      %dma_start3A_31 = tpu.memref_squeeze %dma_start3A_30 : memref<1x100xi32, #tpu.memory_space<vmem>> -> memref<100xi32, #tpu.memory_space<vmem>>
      %dma_start3A_32 = arith.constant 0 : i32
      %dma_start3A_33 = arith.constant 0 : i32
      %dma_start3A_34 = tpu.memref_slice %arg2[%dma_start3A_32, %dma_start3A_33] : memref<20000x128xf32, #tpu.memory_space<hbm>> -> memref<20000x128xf32, #tpu.memory_space<hbm>>
      tpu.enqueue_indirect_dma source(%dma_start3A_34 : memref<20000x128xf32, #tpu.memory_space<hbm>>) target(%arg9 : memref<100x128xf32, #tpu.memory_space<vmem>>) offsets(%dma_start3A_31 : memref<100xi32, #tpu.memory_space<vmem>>) semaphore(%arg12 : memref<!tpu.dma_semaphore, #tpu.memory_space<semaphore_mem>>)
      %scan3A_35 = arith.constant 0 : i32
      %scan3A_36 = arith.constant 25 : i32
      %scan3A_37 = arith.addi %scan3A_35, %scan3A_36 : i32
      %scan3A_38 = arith.constant 1 : i32
      scf.for %scan3A_40 = %scan3A_35 to %scan3A_37 step %scan3A_38  : i32 {
        %mul3A_41 = arith.constant 1 : i32
        %mul3A_42 = arith.muli %scan3A_40, %mul3A_41 : i32
        %add3A_43 = arith.constant 0 : i32
        %add3A_44 = arith.addi %add3A_43, %mul3A_42 : i32
        %mul3A_45 = arith.constant 2 : i32
        %mul3A_46 = arith.muli %mul3A_45, %add3A_44 : i32
        %add3A_47 = arith.constant 1 : i32
        %add3A_48 = arith.addi %mul3A_46, %add3A_47 : i32
        %dma_start3A_49 = arith.constant 0 : i32
        %dma_start3A_50 = tpu.memref_slice %arg7[%add3A_48, %dma_start3A_49] : memref<50x100xi32, #tpu.memory_space<vmem>> -> memref<1x100xi32, #tpu.memory_space<vmem>>
        %dma_start3A_51 = tpu.memref_squeeze %dma_start3A_50 : memref<1x100xi32, #tpu.memory_space<vmem>> -> memref<100xi32, #tpu.memory_space<vmem>>
        %dma_start3A_52 = arith.constant 0 : i32
        %dma_start3A_53 = arith.constant 0 : i32
        %dma_start3A_54 = tpu.memref_slice %arg2[%dma_start3A_52, %dma_start3A_53] : memref<20000x128xf32, #tpu.memory_space<hbm>> -> memref<20000x128xf32, #tpu.memory_space<hbm>>
        tpu.enqueue_indirect_dma source(%dma_start3A_54 : memref<20000x128xf32, #tpu.memory_space<hbm>>) target(%arg10 : memref<100x128xf32, #tpu.memory_space<vmem>>) offsets(%dma_start3A_51 : memref<100xi32, #tpu.memory_space<vmem>>) semaphore(%arg13 : memref<!tpu.dma_semaphore, #tpu.memory_space<semaphore_mem>>)
        %dma_wait3A = arith.constant 0 : i32
        %dma_wait3A_55 = tpu.memref_slice %arg7[%mul3A_46, %dma_wait3A] : memref<50x100xi32, #tpu.memory_space<vmem>> -> memref<1x100xi32, #tpu.memory_space<vmem>>
        %dma_wait3A_56 = tpu.memref_squeeze %dma_wait3A_55 : memref<1x100xi32, #tpu.memory_space<vmem>> -> memref<100xi32, #tpu.memory_space<vmem>>
        %dma_wait3A_57 = arith.constant 0 : i32
        %dma_wait3A_58 = arith.constant 0 : i32
        %dma_wait3A_59 = tpu.memref_slice %arg2[%dma_wait3A_57, %dma_wait3A_58] : memref<20000x128xf32, #tpu.memory_space<hbm>> -> memref<20000x128xf32, #tpu.memory_space<hbm>>
        tpu.wait_indirect_dma semaphore(%arg12 : memref<!tpu.dma_semaphore, #tpu.memory_space<semaphore_mem>>) src(%dma_wait3A_59 : memref<20000x128xf32, #tpu.memory_space<hbm>>) dst(%arg9 : memref<100x128xf32, #tpu.memory_space<vmem>>)
        "tpu.region"() ({
          %run_scoped3A = tpu.sem_alloc : memref<!tpu.dma_semaphore, #tpu.memory_space<semaphore_mem>>
          %dma_start3A_74 = arith.constant 0 : i32
          %dma_start3A_75 = tpu.memref_slice %arg8[%mul3A_46, %dma_start3A_74] : memref<50x100xi32, #tpu.memory_space<vmem>> -> memref<1x100xi32, #tpu.memory_space<vmem>>
          %dma_start3A_76 = tpu.memref_squeeze %dma_start3A_75 : memref<1x100xi32, #tpu.memory_space<vmem>> -> memref<100xi32, #tpu.memory_space<vmem>>
          %dma_start3A_77 = arith.constant 0 : i32
          %dma_start3A_78 = arith.constant 0 : i32
          %dma_start3A_79 = tpu.memref_slice %arg11[%dma_start3A_77, %dma_start3A_78] : memref<10240x128xf32, #tpu.memory_space<vmem_shared>> -> memref<10240x128xf32, #tpu.memory_space<vmem_shared>>
          tpu.enqueue_indirect_dma source(%arg9 : memref<100x128xf32, #tpu.memory_space<vmem>>) target(%dma_start3A_79 : memref<10240x128xf32, #tpu.memory_space<vmem_shared>>) offsets(%dma_start3A_76 : memref<100xi32, #tpu.memory_space<vmem>>) semaphore(%run_scoped3A : memref<!tpu.dma_semaphore, #tpu.memory_space<semaphore_mem>>) {add = true}
          %dma_wait3A_80 = arith.constant 0 : i32
          %dma_wait3A_81 = tpu.memref_slice %arg8[%mul3A_46, %dma_wait3A_80] : memref<50x100xi32, #tpu.memory_space<vmem>> -> memref<1x100xi32, #tpu.memory_space<vmem>>
          %dma_wait3A_82 = tpu.memref_squeeze %dma_wait3A_81 : memref<1x100xi32, #tpu.memory_space<vmem>> -> memref<100xi32, #tpu.memory_space<vmem>>
          %dma_wait3A_83 = arith.constant 0 : i32
          %dma_wait3A_84 = arith.constant 0 : i32
          %dma_wait3A_85 = tpu.memref_slice %arg11[%dma_wait3A_83, %dma_wait3A_84] : memref<10240x128xf32, #tpu.memory_space<vmem_shared>> -> memref<10240x128xf32, #tpu.memory_space<vmem_shared>>
          tpu.wait_indirect_dma semaphore(%run_scoped3A : memref<!tpu.dma_semaphore, #tpu.memory_space<semaphore_mem>>) src(%arg9 : memref<100x128xf32, #tpu.memory_space<vmem>>) dst(%dma_wait3A_85 : memref<10240x128xf32, #tpu.memory_space<vmem_shared>>)
          tpu.yield
        }) : () -> ()
        %lt3A = arith.constant 24 : i32
        %lt3A_60 = arith.cmpi slt, %add3A_44, %lt3A : i32
        %convert_element_type3A_61 = arith.extui %lt3A_60 : i1 to i32
        %cond3A_62 = arith.constant 0 : i32
        %cond3A_63 = arith.cmpi ne, %convert_element_type3A_61, %cond3A_62 : i32
        scf.if %cond3A_63 {
          %add3A_74 = arith.constant 2 : i32
          %add3A_75 = arith.addi %mul3A_46, %add3A_74 : i32
          %dma_start3A_76 = arith.constant 0 : i32
          %dma_start3A_77 = tpu.memref_slice %arg7[%add3A_75, %dma_start3A_76] : memref<50x100xi32, #tpu.memory_space<vmem>> -> memref<1x100xi32, #tpu.memory_space<vmem>>
          %dma_start3A_78 = tpu.memref_squeeze %dma_start3A_77 : memref<1x100xi32, #tpu.memory_space<vmem>> -> memref<100xi32, #tpu.memory_space<vmem>>
          %dma_start3A_79 = arith.constant 0 : i32
          %dma_start3A_80 = arith.constant 0 : i32
          %dma_start3A_81 = tpu.memref_slice %arg2[%dma_start3A_79, %dma_start3A_80] : memref<20000x128xf32, #tpu.memory_space<hbm>> -> memref<20000x128xf32, #tpu.memory_space<hbm>>
          tpu.enqueue_indirect_dma source(%dma_start3A_81 : memref<20000x128xf32, #tpu.memory_space<hbm>>) target(%arg9 : memref<100x128xf32, #tpu.memory_space<vmem>>) offsets(%dma_start3A_78 : memref<100xi32, #tpu.memory_space<vmem>>) semaphore(%arg12 : memref<!tpu.dma_semaphore, #tpu.memory_space<semaphore_mem>>)
        } else {
        }
        %add3A_64 = arith.constant 1 : i32
        %add3A_65 = arith.addi %mul3A_46, %add3A_64 : i32
        %dma_wait3A_66 = arith.constant 0 : i32
        %dma_wait3A_67 = tpu.memref_slice %arg7[%add3A_65, %dma_wait3A_66] : memref<50x100xi32, #tpu.memory_space<vmem>> -> memref<1x100xi32, #tpu.memory_space<vmem>>
        %dma_wait3A_68 = tpu.memref_squeeze %dma_wait3A_67 : memref<1x100xi32, #tpu.memory_space<vmem>> -> memref<100xi32, #tpu.memory_space<vmem>>
        %dma_wait3A_69 = arith.constant 0 : i32
        %dma_wait3A_70 = arith.constant 0 : i32
        %dma_wait3A_71 = tpu.memref_slice %arg2[%dma_wait3A_69, %dma_wait3A_70] : memref<20000x128xf32, #tpu.memory_space<hbm>> -> memref<20000x128xf32, #tpu.memory_space<hbm>>
        tpu.wait_indirect_dma semaphore(%arg13 : memref<!tpu.dma_semaphore, #tpu.memory_space<semaphore_mem>>) src(%dma_wait3A_71 : memref<20000x128xf32, #tpu.memory_space<hbm>>) dst(%arg10 : memref<100x128xf32, #tpu.memory_space<vmem>>)
        %add3A_72 = arith.constant 1 : i32
        %add3A_73 = arith.addi %mul3A_46, %add3A_72 : i32
        "tpu.region"() ({
          %run_scoped3A = tpu.sem_alloc : memref<!tpu.dma_semaphore, #tpu.memory_space<semaphore_mem>>
          %dma_start3A_74 = arith.constant 0 : i32
          %dma_start3A_75 = tpu.memref_slice %arg8[%add3A_73, %dma_start3A_74] : memref<50x100xi32, #tpu.memory_space<vmem>> -> memref<1x100xi32, #tpu.memory_space<vmem>>
          %dma_start3A_76 = tpu.memref_squeeze %dma_start3A_75 : memref<1x100xi32, #tpu.memory_space<vmem>> -> memref<100xi32, #tpu.memory_space<vmem>>
          %dma_start3A_77 = arith.constant 0 : i32
          %dma_start3A_78 = arith.constant 0 : i32
          %dma_start3A_79 = tpu.memref_slice %arg11[%dma_start3A_77, %dma_start3A_78] : memref<10240x128xf32, #tpu.memory_space<vmem_shared>> -> memref<10240x128xf32, #tpu.memory_space<vmem_shared>>
          tpu.enqueue_indirect_dma source(%arg10 : memref<100x128xf32, #tpu.memory_space<vmem>>) target(%dma_start3A_79 : memref<10240x128xf32, #tpu.memory_space<vmem_shared>>) offsets(%dma_start3A_76 : memref<100xi32, #tpu.memory_space<vmem>>) semaphore(%run_scoped3A : memref<!tpu.dma_semaphore, #tpu.memory_space<semaphore_mem>>) {add = true}
          %dma_wait3A_80 = arith.constant 0 : i32
          %dma_wait3A_81 = tpu.memref_slice %arg8[%add3A_73, %dma_wait3A_80] : memref<50x100xi32, #tpu.memory_space<vmem>> -> memref<1x100xi32, #tpu.memory_space<vmem>>
          %dma_wait3A_82 = tpu.memref_squeeze %dma_wait3A_81 : memref<1x100xi32, #tpu.memory_space<vmem>> -> memref<100xi32, #tpu.memory_space<vmem>>
          %dma_wait3A_83 = arith.constant 0 : i32
          %dma_wait3A_84 = arith.constant 0 : i32
          %dma_wait3A_85 = tpu.memref_slice %arg11[%dma_wait3A_83, %dma_wait3A_84] : memref<10240x128xf32, #tpu.memory_space<vmem_shared>> -> memref<10240x128xf32, #tpu.memory_space<vmem_shared>>
          tpu.wait_indirect_dma semaphore(%run_scoped3A : memref<!tpu.dma_semaphore, #tpu.memory_space<semaphore_mem>>) src(%arg10 : memref<100x128xf32, #tpu.memory_space<vmem>>) dst(%dma_wait3A_85 : memref<10240x128xf32, #tpu.memory_space<vmem_shared>>)
          tpu.yield
        }) : () -> ()
      }
      %scan3A_39 = arith.constant 25 : i32
    }
    %scan3A_13 = arith.constant 2 : i32
    %barrier3A_14 = arith.constant 0 : index
    tpu.barrier barrier_id(%barrier3A_14)
    %mul3A = arith.constant 640 : i32
    %mul3A_15 = arith.muli %arg1, %mul3A : i32
    %mul3A_16 = arith.constant 640 : i32
    %mul3A_17 = arith.muli %arg1, %mul3A_16 : i32
    "tpu.region"() ({
      %run_scoped3A = tpu.sem_alloc : memref<!tpu.dma_semaphore, #tpu.memory_space<semaphore_mem>>
      %dma_start3A = arith.constant 0 : i32
      %dma_start3A_18 = tpu.memref_slice %arg6[%arg0, %mul3A_17, %dma_start3A] : memref<2x10240x128xf32, #tpu.memory_space<hbm>> -> memref<1x640x128xf32, #tpu.memory_space<hbm>>
      %dma_start3A_19 = tpu.memref_squeeze %dma_start3A_18 : memref<1x640x128xf32, #tpu.memory_space<hbm>> -> memref<640x128xf32, #tpu.memory_space<hbm>>
      %dma_start3A_20 = arith.constant 0 : i32
      %dma_start3A_21 = tpu.memref_slice %arg11[%mul3A_15, %dma_start3A_20] : memref<10240x128xf32, #tpu.memory_space<vmem_shared>> -> memref<640x128xf32, #tpu.memory_space<vmem_shared>>
      tpu.enqueue_dma source(%dma_start3A_21 : memref<640x128xf32, #tpu.memory_space<vmem_shared>>) target(%dma_start3A_19 : memref<640x128xf32, #tpu.memory_space<hbm>>) target_semaphore(%run_scoped3A : memref<!tpu.dma_semaphore, #tpu.memory_space<semaphore_mem>>)
      %dma_wait3A = arith.constant 0 : i32
      %dma_wait3A_22 = tpu.memref_slice %arg6[%arg0, %mul3A_17, %dma_wait3A] : memref<2x10240x128xf32, #tpu.memory_space<hbm>> -> memref<1x640x128xf32, #tpu.memory_space<hbm>>
      %dma_wait3A_23 = tpu.memref_squeeze %dma_wait3A_22 : memref<1x640x128xf32, #tpu.memory_space<hbm>> -> memref<640x128xf32, #tpu.memory_space<hbm>>
      %dma_wait3A_24 = arith.constant 0 : i32
      %dma_wait3A_25 = tpu.memref_slice %arg11[%mul3A_15, %dma_wait3A_24] : memref<10240x128xf32, #tpu.memory_space<vmem_shared>> -> memref<640x128xf32, #tpu.memory_space<vmem_shared>>
      tpu.wait_dma2 semaphore(%run_scoped3A : memref<!tpu.dma_semaphore, #tpu.memory_space<semaphore_mem>>) src(%dma_wait3A_25 : memref<640x128xf32, #tpu.memory_space<vmem_shared>>) dst(%dma_wait3A_23 : memref<640x128xf32, #tpu.memory_space<hbm>>)
      tpu.yield
    }) : () -> ()
    return
  }
}

#map = affine_map<(d0, d1) -> (0, 0, 0)>
#map1 = affine_map<(d0, d1) -> (0, 0, 0, 0)>
module attributes {stable_mosaic.version = 14 : i64} {
  func.func @_deg_kernel(%arg0: i32, %arg1: i32, %arg2: memref<16x625x16xi32, #tpu.memory_space<hbm>>, %arg3: memref<16x625x16xi32, #tpu.memory_space<hbm>>, %arg4: memref<2x16x5x128xf32, #tpu.memory_space<hbm>>, %arg5: memref<625x16xi32, #tpu.memory_space<vmem>>, %arg6: memref<10240xf32, #tpu.memory_space<vmem>>, %arg7: memref<16x640xf32, #tpu.memory_space<vmem>>, %arg8: memref<5x128xf32, #tpu.memory_space<vmem>>, %arg9: memref<16x10240xf32, #tpu.memory_space<vmem_shared>>, %arg10: memref<!tpu.dma_semaphore, #tpu.memory_space<semaphore_mem>>) attributes {dimension_semantics = [#tpu.dimension_semantics<core_parallel>, #tpu.dimension_semantics<subcore_parallel>], iteration_bounds = array<i64: 2, 16>, scalar_prefetch = 0 : i64, scratch_operands = 6 : i64, tpu.core_type = #tpu.core_type<sc_vector_subcore>, window_params = [{transform_indices = #map}, {transform_indices = #map}, {transform_indices = #map1}]} {
    %scan3A = arith.constant 0 : i32
    %scan3A_0 = arith.constant 640 : i32
    %scan3A_1 = arith.addi %scan3A, %scan3A_0 : i32
    %scan3A_2 = arith.constant 1 : i32
    scf.for %scan3A_22 = %scan3A to %scan3A_1 step %scan3A_2  : i32 {
      %mul3A_23 = arith.constant 1 : i32
      %mul3A_24 = arith.muli %scan3A_22, %mul3A_23 : i32
      %add3A = arith.constant 0 : i32
      %add3A_25 = arith.addi %add3A, %mul3A_24 : i32
      %broadcast_in_dim3A = arith.constant 0.000000e+00 : f32
      %broadcast_in_dim3A_26 = vector.broadcast %broadcast_in_dim3A : f32 to vector<16xf32>
      %mul3A_27 = arith.constant 16 : i32
      %mul3A_28 = arith.muli %add3A_25, %mul3A_27 : i32
      %swap3A = arith.index_cast %mul3A_28 : i32 to index
      %swap3A_29 = tpu.vector_load %arg6[%swap3A] {strides = array<i32>} : memref<10240xf32, #tpu.memory_space<vmem>>, vector<16xf32>,
      tpu.vector_store %arg6[%swap3A], %broadcast_in_dim3A_26 {strides = array<i32>} : memref<10240xf32, #tpu.memory_space<vmem>>, vector<16xf32>,
    }
    %scan3A_3 = arith.constant 640 : i32
    %eq3A = arith.constant 0 : i32
    %eq3A_4 = arith.cmpi eq, %arg0, %eq3A : i32
    %convert_element_type3A = arith.extui %eq3A_4 : i1 to i32
    %cond3A = arith.constant 0 : i32
    %cond3A_5 = arith.cmpi ne, %convert_element_type3A, %cond3A : i32
    scf.if %cond3A_5 {
      "tpu.region"() ({
        %run_scoped3A = tpu.sem_alloc : memref<!tpu.dma_semaphore, #tpu.memory_space<semaphore_mem>>
        %dma_start3A = arith.constant 0 : i32
        %dma_start3A_22 = arith.constant 0 : i32
        %dma_start3A_23 = tpu.memref_slice %arg2[%arg1, %dma_start3A, %dma_start3A_22] : memref<16x625x16xi32, #tpu.memory_space<hbm>> -> memref<1x625x16xi32, #tpu.memory_space<hbm>>
        %dma_start3A_24 = tpu.memref_squeeze %dma_start3A_23 : memref<1x625x16xi32, #tpu.memory_space<hbm>> -> memref<625x16xi32, #tpu.memory_space<hbm>>
        %dma_start3A_25 = arith.constant 0 : i32
        %dma_start3A_26 = arith.constant 0 : i32
        %dma_start3A_27 = tpu.memref_slice %arg2[%arg1, %dma_start3A_25, %dma_start3A_26] : memref<16x625x16xi32, #tpu.memory_space<hbm>> -> memref<1x625x16xi32, #tpu.memory_space<hbm>>
        %dma_start3A_28 = tpu.memref_squeeze %dma_start3A_27 : memref<1x625x16xi32, #tpu.memory_space<hbm>> -> memref<625x16xi32, #tpu.memory_space<hbm>>
        tpu.enqueue_dma source(%dma_start3A_28 : memref<625x16xi32, #tpu.memory_space<hbm>>) target(%arg5 : memref<625x16xi32, #tpu.memory_space<vmem>>) target_semaphore(%run_scoped3A : memref<!tpu.dma_semaphore, #tpu.memory_space<semaphore_mem>>)
        %dma_wait3A = arith.constant 0 : i32
        %dma_wait3A_29 = arith.constant 0 : i32
        %dma_wait3A_30 = tpu.memref_slice %arg2[%arg1, %dma_wait3A, %dma_wait3A_29] : memref<16x625x16xi32, #tpu.memory_space<hbm>> -> memref<1x625x16xi32, #tpu.memory_space<hbm>>
        %dma_wait3A_31 = tpu.memref_squeeze %dma_wait3A_30 : memref<1x625x16xi32, #tpu.memory_space<hbm>> -> memref<625x16xi32, #tpu.memory_space<hbm>>
        %dma_wait3A_32 = arith.constant 0 : i32
        %dma_wait3A_33 = arith.constant 0 : i32
        %dma_wait3A_34 = tpu.memref_slice %arg2[%arg1, %dma_wait3A_32, %dma_wait3A_33] : memref<16x625x16xi32, #tpu.memory_space<hbm>> -> memref<1x625x16xi32, #tpu.memory_space<hbm>>
        %dma_wait3A_35 = tpu.memref_squeeze %dma_wait3A_34 : memref<1x625x16xi32, #tpu.memory_space<hbm>> -> memref<625x16xi32, #tpu.memory_space<hbm>>
        tpu.wait_dma2 semaphore(%run_scoped3A : memref<!tpu.dma_semaphore, #tpu.memory_space<semaphore_mem>>) src(%dma_wait3A_35 : memref<625x16xi32, #tpu.memory_space<hbm>>) dst(%arg5 : memref<625x16xi32, #tpu.memory_space<vmem>>)
        tpu.yield
      }) : () -> ()
    } else {
    }
    %eq3A_6 = arith.constant 1 : i32
    %eq3A_7 = arith.cmpi eq, %arg0, %eq3A_6 : i32
    %convert_element_type3A_8 = arith.extui %eq3A_7 : i1 to i32
    %cond3A_9 = arith.constant 0 : i32
    %cond3A_10 = arith.cmpi ne, %convert_element_type3A_8, %cond3A_9 : i32
    scf.if %cond3A_10 {
      "tpu.region"() ({
        %run_scoped3A = tpu.sem_alloc : memref<!tpu.dma_semaphore, #tpu.memory_space<semaphore_mem>>
        %dma_start3A = arith.constant 0 : i32
        %dma_start3A_22 = arith.constant 0 : i32
        %dma_start3A_23 = tpu.memref_slice %arg3[%arg1, %dma_start3A, %dma_start3A_22] : memref<16x625x16xi32, #tpu.memory_space<hbm>> -> memref<1x625x16xi32, #tpu.memory_space<hbm>>
        %dma_start3A_24 = tpu.memref_squeeze %dma_start3A_23 : memref<1x625x16xi32, #tpu.memory_space<hbm>> -> memref<625x16xi32, #tpu.memory_space<hbm>>
        %dma_start3A_25 = arith.constant 0 : i32
        %dma_start3A_26 = arith.constant 0 : i32
        %dma_start3A_27 = tpu.memref_slice %arg3[%arg1, %dma_start3A_25, %dma_start3A_26] : memref<16x625x16xi32, #tpu.memory_space<hbm>> -> memref<1x625x16xi32, #tpu.memory_space<hbm>>
        %dma_start3A_28 = tpu.memref_squeeze %dma_start3A_27 : memref<1x625x16xi32, #tpu.memory_space<hbm>> -> memref<625x16xi32, #tpu.memory_space<hbm>>
        tpu.enqueue_dma source(%dma_start3A_28 : memref<625x16xi32, #tpu.memory_space<hbm>>) target(%arg5 : memref<625x16xi32, #tpu.memory_space<vmem>>) target_semaphore(%run_scoped3A : memref<!tpu.dma_semaphore, #tpu.memory_space<semaphore_mem>>)
        %dma_wait3A = arith.constant 0 : i32
        %dma_wait3A_29 = arith.constant 0 : i32
        %dma_wait3A_30 = tpu.memref_slice %arg3[%arg1, %dma_wait3A, %dma_wait3A_29] : memref<16x625x16xi32, #tpu.memory_space<hbm>> -> memref<1x625x16xi32, #tpu.memory_space<hbm>>
        %dma_wait3A_31 = tpu.memref_squeeze %dma_wait3A_30 : memref<1x625x16xi32, #tpu.memory_space<hbm>> -> memref<625x16xi32, #tpu.memory_space<hbm>>
        %dma_wait3A_32 = arith.constant 0 : i32
        %dma_wait3A_33 = arith.constant 0 : i32
        %dma_wait3A_34 = tpu.memref_slice %arg3[%arg1, %dma_wait3A_32, %dma_wait3A_33] : memref<16x625x16xi32, #tpu.memory_space<hbm>> -> memref<1x625x16xi32, #tpu.memory_space<hbm>>
        %dma_wait3A_35 = tpu.memref_squeeze %dma_wait3A_34 : memref<1x625x16xi32, #tpu.memory_space<hbm>> -> memref<625x16xi32, #tpu.memory_space<hbm>>
        tpu.wait_dma2 semaphore(%run_scoped3A : memref<!tpu.dma_semaphore, #tpu.memory_space<semaphore_mem>>) src(%dma_wait3A_35 : memref<625x16xi32, #tpu.memory_space<hbm>>) dst(%arg5 : memref<625x16xi32, #tpu.memory_space<vmem>>)
        tpu.yield
      }) : () -> ()
    } else {
    }
    %scan3A_11 = arith.constant 0 : i32
    %scan3A_12 = arith.constant 625 : i32
    %scan3A_13 = arith.addi %scan3A_11, %scan3A_12 : i32
    %scan3A_14 = arith.constant 1 : i32
    scf.for %scan3A_22 = %scan3A_11 to %scan3A_13 step %scan3A_14  : i32 {
      %mul3A_23 = arith.constant 1 : i32
      %mul3A_24 = arith.muli %scan3A_22, %mul3A_23 : i32
      %add3A = arith.constant 0 : i32
      %add3A_25 = arith.addi %add3A, %mul3A_24 : i32
      %get3A = arith.index_cast %add3A_25 : i32 to index
      %get3A_26 = arith.constant 0 : index
      %get3A_27 = tpu.vector_load %arg5[%get3A, %get3A_26] {strides = array<i32>} : memref<625x16xi32, #tpu.memory_space<vmem>>, vector<16xi32>,
      %broadcast_in_dim3A = arith.constant true
      %broadcast_in_dim3A_28 = vector.broadcast %broadcast_in_dim3A : i1 to vector<16xi1>
      %unique3A, %unique3A_29 = tpu.scan_count mask(%broadcast_in_dim3A_28 : vector<16xi1>) value(%get3A_27 : vector<16xi32>) : vector<16xi1>, vector<16xi32>
      %convert_element_type3A_30 = arith.sitofp %unique3A_29 : vector<16xi32> to vector<16xf32>
      tpu.vector_store_idx %arg6[%get3A_27], %convert_element_type3A_30 masked %unique3A {add = true} : memref<10240xf32, #tpu.memory_space<vmem>>[vector<16xi32>], vector<16xf32>, vector<16xi1>
    }
    %scan3A_15 = arith.constant 625 : i32
    "tpu.region"() ({
      %run_scoped3A = tpu.sem_alloc : memref<!tpu.dma_semaphore, #tpu.memory_space<semaphore_mem>>
      %dma_start3A = arith.constant 0 : i32
      %dma_start3A_22 = tpu.memref_slice %arg9[%arg1, %dma_start3A] : memref<16x10240xf32, #tpu.memory_space<vmem_shared>> -> memref<1x10240xf32, #tpu.memory_space<vmem_shared>>
      %dma_start3A_23 = tpu.memref_squeeze %dma_start3A_22 : memref<1x10240xf32, #tpu.memory_space<vmem_shared>> -> memref<10240xf32, #tpu.memory_space<vmem_shared>>
      %dma_start3A_24 = arith.constant 0 : i32
      %dma_start3A_25 = tpu.memref_slice %arg9[%arg1, %dma_start3A_24] : memref<16x10240xf32, #tpu.memory_space<vmem_shared>> -> memref<1x10240xf32, #tpu.memory_space<vmem_shared>>
      %dma_start3A_26 = tpu.memref_squeeze %dma_start3A_25 : memref<1x10240xf32, #tpu.memory_space<vmem_shared>> -> memref<10240xf32, #tpu.memory_space<vmem_shared>>
      tpu.enqueue_dma source(%arg6 : memref<10240xf32, #tpu.memory_space<vmem>>) target(%dma_start3A_26 : memref<10240xf32, #tpu.memory_space<vmem_shared>>) target_semaphore(%run_scoped3A : memref<!tpu.dma_semaphore, #tpu.memory_space<semaphore_mem>>)
      %dma_wait3A = arith.constant 0 : i32
      %dma_wait3A_27 = tpu.memref_slice %arg9[%arg1, %dma_wait3A] : memref<16x10240xf32, #tpu.memory_space<vmem_shared>> -> memref<1x10240xf32, #tpu.memory_space<vmem_shared>>
      %dma_wait3A_28 = tpu.memref_squeeze %dma_wait3A_27 : memref<1x10240xf32, #tpu.memory_space<vmem_shared>> -> memref<10240xf32, #tpu.memory_space<vmem_shared>>
      %dma_wait3A_29 = arith.constant 0 : i32
      %dma_wait3A_30 = tpu.memref_slice %arg9[%arg1, %dma_wait3A_29] : memref<16x10240xf32, #tpu.memory_space<vmem_shared>> -> memref<1x10240xf32, #tpu.memory_space<vmem_shared>>
      %dma_wait3A_31 = tpu.memref_squeeze %dma_wait3A_30 : memref<1x10240xf32, #tpu.memory_space<vmem_shared>> -> memref<10240xf32, #tpu.memory_space<vmem_shared>>
      tpu.wait_dma2 semaphore(%run_scoped3A : memref<!tpu.dma_semaphore, #tpu.memory_space<semaphore_mem>>) src(%arg6 : memref<10240xf32, #tpu.memory_space<vmem>>) dst(%dma_wait3A_31 : memref<10240xf32, #tpu.memory_space<vmem_shared>>)
      tpu.yield
    }) : () -> ()
    %barrier3A = arith.constant 0 : index
    tpu.barrier barrier_id(%barrier3A)
    %mul3A = arith.constant 640 : i32
    %mul3A_16 = arith.muli %arg1, %mul3A : i32
    "tpu.region"() ({
      %run_scoped3A = tpu.sem_alloc : memref<!tpu.dma_semaphore, #tpu.memory_space<semaphore_mem>>
      %dma_start3A = arith.constant 0 : i32
      %dma_start3A_22 = tpu.memref_slice %arg9[%dma_start3A, %mul3A_16] : memref<16x10240xf32, #tpu.memory_space<vmem_shared>> -> memref<16x640xf32, #tpu.memory_space<vmem_shared>>
      %dma_start3A_23 = arith.constant 0 : i32
      %dma_start3A_24 = tpu.memref_slice %arg9[%dma_start3A_23, %mul3A_16] : memref<16x10240xf32, #tpu.memory_space<vmem_shared>> -> memref<16x640xf32, #tpu.memory_space<vmem_shared>>
      tpu.enqueue_dma source(%dma_start3A_24 : memref<16x640xf32, #tpu.memory_space<vmem_shared>>) target(%arg7 : memref<16x640xf32, #tpu.memory_space<vmem>>) target_semaphore(%run_scoped3A : memref<!tpu.dma_semaphore, #tpu.memory_space<semaphore_mem>>)
      %dma_wait3A = arith.constant 0 : i32
      %dma_wait3A_25 = tpu.memref_slice %arg9[%dma_wait3A, %mul3A_16] : memref<16x10240xf32, #tpu.memory_space<vmem_shared>> -> memref<16x640xf32, #tpu.memory_space<vmem_shared>>
      %dma_wait3A_26 = arith.constant 0 : i32
      %dma_wait3A_27 = tpu.memref_slice %arg9[%dma_wait3A_26, %mul3A_16] : memref<16x10240xf32, #tpu.memory_space<vmem_shared>> -> memref<16x640xf32, #tpu.memory_space<vmem_shared>>
      tpu.wait_dma2 semaphore(%run_scoped3A : memref<!tpu.dma_semaphore, #tpu.memory_space<semaphore_mem>>) src(%dma_wait3A_27 : memref<16x640xf32, #tpu.memory_space<vmem_shared>>) dst(%arg7 : memref<16x640xf32, #tpu.memory_space<vmem>>)
      tpu.yield
    }) : () -> ()
    %scan3A_17 = arith.constant 0 : i32
    %scan3A_18 = arith.constant 40 : i32
    %scan3A_19 = arith.addi %scan3A_17, %scan3A_18 : i32
    %scan3A_20 = arith.constant 1 : i32
    scf.for %scan3A_22 = %scan3A_17 to %scan3A_19 step %scan3A_20  : i32 {
      %mul3A_23 = arith.constant 1 : i32
      %mul3A_24 = arith.muli %scan3A_22, %mul3A_23 : i32
      %add3A = arith.constant 0 : i32
      %add3A_25 = arith.addi %add3A, %mul3A_24 : i32
      %broadcast_in_dim3A = arith.constant 0.000000e+00 : f32
      %broadcast_in_dim3A_26 = vector.broadcast %broadcast_in_dim3A : f32 to vector<16xf32>
      %scan3A_27 = arith.constant 0 : i32
      %scan3A_28 = arith.constant 16 : i32
      %scan3A_29 = arith.addi %scan3A_27, %scan3A_28 : i32
      %scan3A_30 = arith.constant 1 : i32
      %scan3A_31 = scf.for %scan3A_68 = %scan3A_27 to %scan3A_29 step %scan3A_30 iter_args(%scan3A_69 = %broadcast_in_dim3A_26) -> (vector<16xf32>)  : i32 {
        %mul3A_70 = arith.constant 16 : i32
        %mul3A_71 = arith.muli %add3A_25, %mul3A_70 : i32
        %get3A = arith.index_cast %scan3A_68 : i32 to index
        %get3A_72 = arith.index_cast %mul3A_71 : i32 to index
        %get3A_73 = tpu.vector_load %arg7[%get3A, %get3A_72] {strides = array<i32>} : memref<16x640xf32, #tpu.memory_space<vmem>>, vector<16xf32>,
        %add3A_74 = arith.addf %scan3A_69, %get3A_73 : vector<16xf32>
        scf.yield %add3A_74 : vector<16xf32>
      }
      %scan3A_32 = arith.constant 16 : i32
      %jit3A = arith.constant 8 : i32
      %div3A = arith.divsi %add3A_25, %jit3A : i32
      %sign3A = arith.constant 0 : i32
      %sign3A_33 = arith.cmpi sgt, %add3A_25, %sign3A : i32
      %sign3A_34 = arith.extui %sign3A_33 : i1 to i32
      %sign3A_35 = arith.constant 0 : i32
      %sign3A_36 = arith.cmpi slt, %add3A_25, %sign3A_35 : i32
      %sign3A_37 = arith.extui %sign3A_36 : i1 to i32
      %sign3A_38 = arith.subi %sign3A_34, %sign3A_37 : i32
      %sign3A_39 = arith.constant 0 : i32
      %sign3A_40 = arith.cmpi sgt, %jit3A, %sign3A_39 : i32
      %sign3A_41 = arith.extui %sign3A_40 : i1 to i32
      %sign3A_42 = arith.constant 0 : i32
      %sign3A_43 = arith.cmpi slt, %jit3A, %sign3A_42 : i32
      %sign3A_44 = arith.extui %sign3A_43 : i1 to i32
      %sign3A_45 = arith.subi %sign3A_41, %sign3A_44 : i32
      %ne3A = arith.cmpi ne, %sign3A_38, %sign3A_45 : i32
      %rem3A = arith.remsi %add3A_25, %jit3A : i32
      %ne3A_46 = arith.constant 0 : i32
      %ne3A_47 = arith.cmpi ne, %rem3A, %ne3A_46 : i32
      %and3A = arith.andi %ne3A, %ne3A_47 : i1
      %sub3A = arith.constant 1 : i32
      %sub3A_48 = arith.subi %div3A, %sub3A : i32
      %select_n3A = arith.select %and3A, %sub3A_48, %div3A : i32
      %jit3A_49 = arith.constant 8 : i32
      %eq3A_50 = arith.constant 0 : i32
      %eq3A_51 = arith.cmpi eq, %jit3A_49, %eq3A_50 : i32
      %jit3A_52 = arith.constant 1 : i32
      %select_n3A_53 = arith.select %eq3A_51, %jit3A_52, %jit3A_49 : i32
      %rem3A_54 = arith.remsi %add3A_25, %select_n3A_53 : i32
      %ne3A_55 = arith.constant 0 : i32
      %ne3A_56 = arith.cmpi ne, %rem3A_54, %ne3A_55 : i32
      %lt3A = arith.constant 0 : i32
      %lt3A_57 = arith.cmpi slt, %rem3A_54, %lt3A : i32
      %lt3A_58 = arith.constant 0 : i32
      %lt3A_59 = arith.cmpi slt, %select_n3A_53, %lt3A_58 : i32
      %ne3A_60 = arith.xori %lt3A_57, %lt3A_59 : i1
      %and3A_61 = arith.andi %ne3A_60, %ne3A_56 : i1
      %add3A_62 = arith.addi %rem3A_54, %select_n3A_53 : i32
      %select_n3A_63 = arith.select %and3A_61, %add3A_62, %rem3A_54 : i32
      %mul3A_64 = arith.constant 16 : i32
      %mul3A_65 = arith.muli %select_n3A_63, %mul3A_64 : i32
      %swap3A = arith.index_cast %select_n3A : i32 to index
      %swap3A_66 = arith.index_cast %mul3A_65 : i32 to index
      %swap3A_67 = tpu.vector_load %arg8[%swap3A, %swap3A_66] {strides = array<i32>} : memref<5x128xf32, #tpu.memory_space<vmem>>, vector<16xf32>,
      tpu.vector_store %arg8[%swap3A, %swap3A_66], %scan3A_31 {strides = array<i32>} : memref<5x128xf32, #tpu.memory_space<vmem>>, vector<16xf32>,
    }
    %scan3A_21 = arith.constant 40 : i32
    "tpu.region"() ({
      %run_scoped3A = tpu.sem_alloc : memref<!tpu.dma_semaphore, #tpu.memory_space<semaphore_mem>>
      %dma_start3A = arith.constant 0 : i32
      %dma_start3A_22 = arith.constant 0 : i32
      %dma_start3A_23 = tpu.memref_slice %arg4[%arg0, %arg1, %dma_start3A, %dma_start3A_22] : memref<2x16x5x128xf32, #tpu.memory_space<hbm>> -> memref<1x1x5x128xf32, #tpu.memory_space<hbm>>
      %dma_start3A_24 = tpu.memref_squeeze %dma_start3A_23 : memref<1x1x5x128xf32, #tpu.memory_space<hbm>> -> memref<5x128xf32, #tpu.memory_space<hbm>>
      %dma_start3A_25 = arith.constant 0 : i32
      %dma_start3A_26 = arith.constant 0 : i32
      %dma_start3A_27 = tpu.memref_slice %arg4[%arg0, %arg1, %dma_start3A_25, %dma_start3A_26] : memref<2x16x5x128xf32, #tpu.memory_space<hbm>> -> memref<1x1x5x128xf32, #tpu.memory_space<hbm>>
      %dma_start3A_28 = tpu.memref_squeeze %dma_start3A_27 : memref<1x1x5x128xf32, #tpu.memory_space<hbm>> -> memref<5x128xf32, #tpu.memory_space<hbm>>
      tpu.enqueue_dma source(%arg8 : memref<5x128xf32, #tpu.memory_space<vmem>>) target(%dma_start3A_28 : memref<5x128xf32, #tpu.memory_space<hbm>>) target_semaphore(%run_scoped3A : memref<!tpu.dma_semaphore, #tpu.memory_space<semaphore_mem>>)
      %dma_wait3A = arith.constant 0 : i32
      %dma_wait3A_29 = arith.constant 0 : i32
      %dma_wait3A_30 = tpu.memref_slice %arg4[%arg0, %arg1, %dma_wait3A, %dma_wait3A_29] : memref<2x16x5x128xf32, #tpu.memory_space<hbm>> -> memref<1x1x5x128xf32, #tpu.memory_space<hbm>>
      %dma_wait3A_31 = tpu.memref_squeeze %dma_wait3A_30 : memref<1x1x5x128xf32, #tpu.memory_space<hbm>> -> memref<5x128xf32, #tpu.memory_space<hbm>>
      %dma_wait3A_32 = arith.constant 0 : i32
      %dma_wait3A_33 = arith.constant 0 : i32
      %dma_wait3A_34 = tpu.memref_slice %arg4[%arg0, %arg1, %dma_wait3A_32, %dma_wait3A_33] : memref<2x16x5x128xf32, #tpu.memory_space<hbm>> -> memref<1x1x5x128xf32, #tpu.memory_space<hbm>>
      %dma_wait3A_35 = tpu.memref_squeeze %dma_wait3A_34 : memref<1x1x5x128xf32, #tpu.memory_space<hbm>> -> memref<5x128xf32, #tpu.memory_space<hbm>>
      tpu.wait_dma2 semaphore(%run_scoped3A : memref<!tpu.dma_semaphore, #tpu.memory_space<semaphore_mem>>) src(%arg8 : memref<5x128xf32, #tpu.memory_space<vmem>>) dst(%dma_wait3A_35 : memref<5x128xf32, #tpu.memory_space<hbm>>)
      tpu.yield
    }) : () -> ()
    return
  }
}

module attributes {stable_mosaic.version = 14 : i64} {
  func.func @_mm_body(%arg0: i32, %arg1: memref<2000x256xf32, #tpu.memory_space<vmem>>, %arg2: memref<256x256xf32, #tpu.memory_space<vmem>>, %arg3: memref<2000x1xi32, #tpu.memory_space<vmem>>, %arg4: memref<4xf32, #tpu.memory_space<smem>>, %arg5: memref<2x2000x128xf32, #tpu.memory_space<vmem>>) attributes {dimension_semantics = [#tpu.dimension_semantics<arbitrary>], iteration_bounds = array<i64: 5>, scalar_prefetch = 0 : i64, scratch_operands = 0 : i64, tpu.core_type = #tpu.core_type<tc>, window_params = [{transform_indices = @transform_0, window_bounds = array<i64: 2000, 256>}, {pipeline_mode = #tpu.pipeline_mode<synchronous>, transform_indices = @transform_1, window_bounds = array<i64: 256, 256>}, {transform_indices = @transform_2, window_bounds = array<i64: 2000, 1>}, {transform_indices = @transform_3, window_bounds = array<i64: 4>}, {transform_indices = @transform_4, window_bounds = array<i64: 2, 2000, 128>}]} {
    %get3A = arith.constant 0 : index
    %get3A_0 = arith.constant 0 : index
    %get3A_1 = vector.load %arg3[%get3A, %get3A_0] : memref<2000x1xi32, #tpu.memory_space<vmem>>, vector<2000x1xi32>
    %eq3A = arith.constant 0 : i32
    %eq3A_2 = vector.broadcast %eq3A : i32 to vector<2000x1xi32>
    %eq3A_3 = arith.cmpi eq, %get3A_1, %eq3A_2 : vector<2000x1xi32>
    %get3A_4 = arith.constant 0 : index
    %get3A_5 = memref.load %arg4[%get3A_4] : memref<4xf32, #tpu.memory_space<smem>>
    %eq3A_6 = arith.constant 1 : i32
    %eq3A_7 = vector.broadcast %eq3A_6 : i32 to vector<2000x1xi32>
    %eq3A_8 = arith.cmpi eq, %get3A_1, %eq3A_7 : vector<2000x1xi32>
    %get3A_9 = arith.constant 1 : index
    %get3A_10 = memref.load %arg4[%get3A_9] : memref<4xf32, #tpu.memory_space<smem>>
    %eq3A_11 = arith.constant 2 : i32
    %eq3A_12 = vector.broadcast %eq3A_11 : i32 to vector<2000x1xi32>
    %eq3A_13 = arith.cmpi eq, %get3A_1, %eq3A_12 : vector<2000x1xi32>
    %get3A_14 = arith.constant 2 : index
    %get3A_15 = memref.load %arg4[%get3A_14] : memref<4xf32, #tpu.memory_space<smem>>
    %get3A_16 = arith.constant 3 : index
    %get3A_17 = memref.load %arg4[%get3A_16] : memref<4xf32, #tpu.memory_space<smem>>
    %broadcast_in_dim3A = vector.broadcast %get3A_15 : f32 to vector<2000x1xf32>
    %broadcast_in_dim3A_18 = vector.broadcast %get3A_17 : f32 to vector<2000x1xf32>
    %select_n3A = arith.select %eq3A_13, %broadcast_in_dim3A, %broadcast_in_dim3A_18 : vector<2000x1xi1>, vector<2000x1xf32>
    %broadcast_in_dim3A_19 = vector.broadcast %get3A_10 : f32 to vector<2000x1xf32>
    %select_n3A_20 = arith.select %eq3A_8, %broadcast_in_dim3A_19, %select_n3A : vector<2000x1xi1>, vector<2000x1xf32>
    %broadcast_in_dim3A_21 = vector.broadcast %get3A_5 : f32 to vector<2000x1xf32>
    %select_n3A_22 = arith.select %eq3A_3, %broadcast_in_dim3A_21, %select_n3A_20 : vector<2000x1xi1>, vector<2000x1xf32>
    %get3A_23 = arith.constant 0 : index
    %get3A_24 = arith.constant 0 : index
    %get3A_25 = vector.load %arg1[%get3A_23, %get3A_24] : memref<2000x256xf32, #tpu.memory_space<vmem>>, vector<2000x256xf32>
    %mul3A = vector.broadcast %select_n3A_22 : vector<2000x1xf32> to vector<2000x256xf32>
    %mul3A_26 = arith.mulf %get3A_25, %mul3A : vector<2000x256xf32>
    %get3A_27 = arith.constant 0 : index
    %get3A_28 = arith.constant 0 : index
    %get3A_29 = vector.load %arg2[%get3A_27, %get3A_28] : memref<256x256xf32, #tpu.memory_space<vmem>>, vector<256x256xf32>
    %dot_general3A = arith.constant dense<0.000000e+00> : vector<2000x256xf32>
    %dot_general3A_30 = tpu.matmul %mul3A_26, %get3A_29, %dot_general3A {dimension_numbers = #tpu.dot_dimension_numbers<[1], [0], [0], [1], [0, 0, 1, 1], [], []>, transpose_lhs_hint = false} : vector<2000x256xf32>, vector<256x256xf32>, vector<2000x256xf32> -> vector<2000x256xf32>
    %slice3A = vector.extract_strided_slice %dot_general3A_30 {offsets = [0, 0], sizes = [2000, 128], strides = [1, 1]} : vector<2000x256xf32> to vector<2000x128xf32>
    %swap3A = arith.constant 0 : index
    %swap3A_31 = arith.constant 0 : index
    %swap3A_32 = arith.constant 0 : index
    %swap3A_33 = vector.load %arg5[%swap3A, %swap3A_31, %swap3A_32] : memref<2x2000x128xf32, #tpu.memory_space<vmem>>, vector<1x2000x128xf32>
    %swap3A_34 = vector.shape_cast %swap3A_33 : vector<1x2000x128xf32> to vector<2000x128xf32>
    %swap3A_35 = vector.shape_cast %slice3A : vector<2000x128xf32> to vector<1x2000x128xf32>
    tpu.vector_store %arg5[%swap3A, %swap3A_31, %swap3A_32], %swap3A_35 {strides = array<i32>} : memref<2x2000x128xf32, #tpu.memory_space<vmem>>, vector<1x2000x128xf32>,
    %slice3A_36 = vector.extract_strided_slice %dot_general3A_30 {offsets = [0, 128], sizes = [2000, 128], strides = [1, 1]} : vector<2000x256xf32> to vector<2000x128xf32>
    %swap3A_37 = arith.constant 1 : index
    %swap3A_38 = arith.constant 0 : index
    %swap3A_39 = arith.constant 0 : index
    %swap3A_40 = vector.load %arg5[%swap3A_37, %swap3A_38, %swap3A_39] : memref<2x2000x128xf32, #tpu.memory_space<vmem>>, vector<1x2000x128xf32>
    %swap3A_41 = vector.shape_cast %swap3A_40 : vector<1x2000x128xf32> to vector<2000x128xf32>
    %swap3A_42 = vector.shape_cast %slice3A_36 : vector<2000x128xf32> to vector<1x2000x128xf32>
    tpu.vector_store %arg5[%swap3A_37, %swap3A_38, %swap3A_39], %swap3A_42 {strides = array<i32>} : memref<2x2000x128xf32, #tpu.memory_space<vmem>>, vector<1x2000x128xf32>,
    return
  }
  func.func @transform_0(%arg0: i32) -> (i32, i32) {
    %c0_i32 = arith.constant 0 : i32
    %c0_i32_0 = arith.constant 0 : i32
    return %arg0, %c0_i32 : i32, i32
  }
  func.func @transform_1(%arg0: i32) -> (i32, i32) {
    %c0_i32 = arith.constant 0 : i32
    %c0_i32_0 = arith.constant 0 : i32
    %c0_i32_1 = arith.constant 0 : i32
    return %c0_i32, %c0_i32_0 : i32, i32
  }
  func.func @transform_2(%arg0: i32) -> (i32, i32) {
    %c0_i32 = arith.constant 0 : i32
    %c0_i32_0 = arith.constant 0 : i32
    return %arg0, %c0_i32 : i32, i32
  }
  func.func @transform_3(%arg0: i32) -> i32 {
    %c0_i32 = arith.constant 0 : i32
    %c0_i32_0 = arith.constant 0 : i32
    return %c0_i32 : i32
  }
  func.func @transform_4(%arg0: i32) -> (i32, i32, i32) {
    %c0_i32 = arith.constant 0 : i32
    %c0_i32_0 = arith.constant 0 : i32
    %c0_i32_1 = arith.constant 0 : i32
    return %c0_i32, %arg0, %c0_i32_0 : i32, i32, i32
  }
}

module attributes {stable_mosaic.version = 14 : i64} {
  func.func @_scale_body(%arg0: i32, %arg1: memref<2x2000x128xf32, #tpu.memory_space<vmem>>, %arg2: memref<1x2000x1xf32, #tpu.memory_space<vmem>>, %arg3: memref<2x2000x128xf32, #tpu.memory_space<vmem>>) attributes {dimension_semantics = [#tpu.dimension_semantics<arbitrary>], iteration_bounds = array<i64: 5>, scalar_prefetch = 0 : i64, scratch_operands = 0 : i64, tpu.core_type = #tpu.core_type<tc>, window_params = [{transform_indices = @transform_0, window_bounds = array<i64: 2, 2000, 128>}, {transform_indices = @transform_1, window_bounds = array<i64: 1, 2000, 1>}, {transform_indices = @transform_2, window_bounds = array<i64: 2, 2000, 128>}]} {
    %get3A = arith.constant 0 : index
    %get3A_0 = arith.constant 0 : index
    %get3A_1 = arith.constant 0 : index
    %get3A_2 = vector.load %arg2[%get3A, %get3A_0, %get3A_1] : memref<1x2000x1xf32, #tpu.memory_space<vmem>>, vector<1x2000x1xf32>
    %get3A_3 = vector.shape_cast %get3A_2 : vector<1x2000x1xf32> to vector<2000x1xf32>
    %max3A = arith.constant 1.000000e+00 : f32
    %max3A_4 = vector.broadcast %max3A : f32 to vector<2000x1xf32>
    %max3A_5 = arith.maximumf %get3A_3, %max3A_4 : vector<2000x1xf32>
    %rsqrt3A = math.rsqrt %max3A_5 : vector<2000x1xf32>
    %get3A_6 = arith.constant 0 : index
    %get3A_7 = arith.constant 0 : index
    %get3A_8 = arith.constant 0 : index
    %get3A_9 = vector.load %arg1[%get3A_6, %get3A_7, %get3A_8] : memref<2x2000x128xf32, #tpu.memory_space<vmem>>, vector<1x2000x128xf32>
    %get3A_10 = vector.shape_cast %get3A_9 : vector<1x2000x128xf32> to vector<2000x128xf32>
    %mul3A = vector.broadcast %rsqrt3A : vector<2000x1xf32> to vector<2000x128xf32>
    %mul3A_11 = arith.mulf %get3A_10, %mul3A : vector<2000x128xf32>
    %swap3A = arith.constant 0 : index
    %swap3A_12 = arith.constant 0 : index
    %swap3A_13 = arith.constant 0 : index
    %swap3A_14 = vector.load %arg3[%swap3A, %swap3A_12, %swap3A_13] : memref<2x2000x128xf32, #tpu.memory_space<vmem>>, vector<1x2000x128xf32>
    %swap3A_15 = vector.shape_cast %swap3A_14 : vector<1x2000x128xf32> to vector<2000x128xf32>
    %swap3A_16 = vector.shape_cast %mul3A_11 : vector<2000x128xf32> to vector<1x2000x128xf32>
    tpu.vector_store %arg3[%swap3A, %swap3A_12, %swap3A_13], %swap3A_16 {strides = array<i32>} : memref<2x2000x128xf32, #tpu.memory_space<vmem>>, vector<1x2000x128xf32>,
    %get3A_17 = arith.constant 1 : index
    %get3A_18 = arith.constant 0 : index
    %get3A_19 = arith.constant 0 : index
    %get3A_20 = vector.load %arg1[%get3A_17, %get3A_18, %get3A_19] : memref<2x2000x128xf32, #tpu.memory_space<vmem>>, vector<1x2000x128xf32>
    %get3A_21 = vector.shape_cast %get3A_20 : vector<1x2000x128xf32> to vector<2000x128xf32>
    %mul3A_22 = vector.broadcast %rsqrt3A : vector<2000x1xf32> to vector<2000x128xf32>
    %mul3A_23 = arith.mulf %get3A_21, %mul3A_22 : vector<2000x128xf32>
    %swap3A_24 = arith.constant 1 : index
    %swap3A_25 = arith.constant 0 : index
    %swap3A_26 = arith.constant 0 : index
    %swap3A_27 = vector.load %arg3[%swap3A_24, %swap3A_25, %swap3A_26] : memref<2x2000x128xf32, #tpu.memory_space<vmem>>, vector<1x2000x128xf32>
    %swap3A_28 = vector.shape_cast %swap3A_27 : vector<1x2000x128xf32> to vector<2000x128xf32>
    %swap3A_29 = vector.shape_cast %mul3A_23 : vector<2000x128xf32> to vector<1x2000x128xf32>
    tpu.vector_store %arg3[%swap3A_24, %swap3A_25, %swap3A_26], %swap3A_29 {strides = array<i32>} : memref<2x2000x128xf32, #tpu.memory_space<vmem>>, vector<1x2000x128xf32>,
    return
  }
  func.func @transform_0(%arg0: i32) -> (i32, i32, i32) {
    %c0_i32 = arith.constant 0 : i32
    %c0_i32_0 = arith.constant 0 : i32
    %c0_i32_1 = arith.constant 0 : i32
    return %c0_i32, %arg0, %c0_i32_0 : i32, i32, i32
  }
  func.func @transform_1(%arg0: i32) -> (i32, i32, i32) {
    %c0_i32 = arith.constant 0 : i32
    %c0_i32_0 = arith.constant 0 : i32
    %c0_i32_1 = arith.constant 0 : i32
    return %c0_i32, %arg0, %c0_i32_0 : i32, i32, i32
  }
  func.func @transform_2(%arg0: i32) -> (i32, i32, i32) {
    %c0_i32 = arith.constant 0 : i32
    %c0_i32_0 = arith.constant 0 : i32
    %c0_i32_1 = arith.constant 0 : i32
    return %c0_i32, %arg0, %c0_i32_0 : i32, i32, i32
  }
}

module attributes {stable_mosaic.version = 14 : i64} {
  func.func @_fin_body(%arg0: i32, %arg1: memref<2x2000x128xf32, #tpu.memory_space<vmem>>, %arg2: memref<1x2000x1xf32, #tpu.memory_space<vmem>>, %arg3: memref<1x256xf32, #tpu.memory_space<vmem>>, %arg4: memref<2000x256xf32, #tpu.memory_space<vmem>>) attributes {dimension_semantics = [#tpu.dimension_semantics<arbitrary>], iteration_bounds = array<i64: 5>, scalar_prefetch = 0 : i64, scratch_operands = 0 : i64, tpu.core_type = #tpu.core_type<tc>, window_params = [{transform_indices = @transform_0, window_bounds = array<i64: 2, 2000, 128>}, {transform_indices = @transform_1, window_bounds = array<i64: 1, 2000, 1>}, {pipeline_mode = #tpu.pipeline_mode<synchronous>, transform_indices = @transform_2, window_bounds = array<i64: 1, 256>}, {transform_indices = @transform_3, window_bounds = array<i64: 2000, 256>}]} {
    %get3A = arith.constant 0 : index
    %get3A_0 = arith.constant 0 : index
    %get3A_1 = arith.constant 0 : index
    %get3A_2 = vector.load %arg2[%get3A, %get3A_0, %get3A_1] : memref<1x2000x1xf32, #tpu.memory_space<vmem>>, vector<1x2000x1xf32>
    %get3A_3 = vector.shape_cast %get3A_2 : vector<1x2000x1xf32> to vector<2000x1xf32>
    %max3A = arith.constant 1.000000e+00 : f32
    %max3A_4 = vector.broadcast %max3A : f32 to vector<2000x1xf32>
    %max3A_5 = arith.maximumf %get3A_3, %max3A_4 : vector<2000x1xf32>
    %rsqrt3A = math.rsqrt %max3A_5 : vector<2000x1xf32>
    %get3A_6 = arith.constant 0 : index
    %get3A_7 = arith.constant 0 : index
    %get3A_8 = arith.constant 0 : index
    %get3A_9 = vector.load %arg1[%get3A_6, %get3A_7, %get3A_8] : memref<2x2000x128xf32, #tpu.memory_space<vmem>>, vector<1x2000x128xf32>
    %get3A_10 = vector.shape_cast %get3A_9 : vector<1x2000x128xf32> to vector<2000x128xf32>
    %get3A_11 = arith.constant 1 : index
    %get3A_12 = arith.constant 0 : index
    %get3A_13 = arith.constant 0 : index
    %get3A_14 = vector.load %arg1[%get3A_11, %get3A_12, %get3A_13] : memref<2x2000x128xf32, #tpu.memory_space<vmem>>, vector<1x2000x128xf32>
    %get3A_15 = vector.shape_cast %get3A_14 : vector<1x2000x128xf32> to vector<2000x128xf32>
    %concatenate3A = tpu.concatenate %get3A_10, %get3A_15 in 1 : vector<2000x128xf32>, vector<2000x128xf32> -> vector<2000x256xf32>
    %mul3A = vector.broadcast %rsqrt3A : vector<2000x1xf32> to vector<2000x256xf32>
    %mul3A_16 = arith.mulf %concatenate3A, %mul3A : vector<2000x256xf32>
    %get3A_17 = arith.constant 0 : index
    %get3A_18 = arith.constant 0 : index
    %get3A_19 = vector.load %arg3[%get3A_17, %get3A_18] : memref<1x256xf32, #tpu.memory_space<vmem>>, vector<1x256xf32>
    %add3A = vector.broadcast %get3A_19 : vector<1x256xf32> to vector<2000x256xf32>
    %add3A_20 = arith.addf %mul3A_16, %add3A : vector<2000x256xf32>
    %swap3A = arith.constant 0 : index
    %swap3A_21 = arith.constant 0 : index
    %swap3A_22 = vector.load %arg4[%swap3A, %swap3A_21] : memref<2000x256xf32, #tpu.memory_space<vmem>>, vector<2000x256xf32>
    tpu.vector_store %arg4[%swap3A, %swap3A_21], %add3A_20 {strides = array<i32>} : memref<2000x256xf32, #tpu.memory_space<vmem>>, vector<2000x256xf32>,
    return
  }
  func.func @transform_0(%arg0: i32) -> (i32, i32, i32) {
    %c0_i32 = arith.constant 0 : i32
    %c0_i32_0 = arith.constant 0 : i32
    %c0_i32_1 = arith.constant 0 : i32
    return %c0_i32, %arg0, %c0_i32_0 : i32, i32, i32
  }
  func.func @transform_1(%arg0: i32) -> (i32, i32, i32) {
    %c1_i32 = arith.constant 1 : i32
    %c0_i32 = arith.constant 0 : i32
    %c0_i32_0 = arith.constant 0 : i32
    return %c1_i32, %arg0, %c0_i32 : i32, i32, i32
  }
  func.func @transform_2(%arg0: i32) -> (i32, i32) {
    %c0_i32 = arith.constant 0 : i32
    %c0_i32_0 = arith.constant 0 : i32
    %c0_i32_1 = arith.constant 0 : i32
    return %c0_i32, %c0_i32_0 : i32, i32
  }
  func.func @transform_3(%arg0: i32) -> (i32, i32) {
    %c0_i32 = arith.constant 0 : i32
    %c0_i32_0 = arith.constant 0 : i32
    return %arg0, %c0_i32 : i32, i32
  }
}

</mosaic_0001>

<sc_bundles>
// kernel: kernel.10.cloned.1.call-start
scs
__scs_entry_jumppad:
0x0: {  	(pc) =	sbr.rel $0x88, $3  }
0x1: {  	(tag) =	ssettag $0x0;
	lr =	simm.s32 $0x1  }
0x2: {  	[smem:$0x3F9B] =	sst lr;
	_ =	strace $0xD0000000  }
0x3: {  	_ = 	snop  }
0x4: {  	_ = 	snop  }
0x5: {  	_ = 	snop  }
0x6: {  	_ = 	snop  }
0x7: {  	_ = 	snop  }
__scs_overlays_trampoline_lowered:
0x8: {  	[smem:$0x3FAA] =	sst s0  }
0x9: {  	[smem:$0x3FAB] =	sst s1  }
0xa: {  	[smem:$0x3FAC] =	sst s2  }
0xb: {  	[smem:$0x3FAD] =	sst s3  }
0xc: {  	[smem:$0x3FAE] =	sst s4  }
0xd: {  	[smem:$0x3FAF] =	sst s5  }
0xe: {  	[smem:$0x3FB0] =	sst s6  }
0xf: {  	[smem:$0x3FB1] =	sst s7  }
0x10: {  	[smem:$0x3FB2] =	sst s8  }
0x11: {  	[smem:$0x3FB3] =	sst s9;
	s0 =	simm.s32 @!p0 $0x0  }
0x12: {  	s1 =	sld [smem:$0x3F99];
	s0 =	simm.s32 @p0 $0x1  }
0x13: {  	[smem:$0x3FB4] =	sst s0;
	s0 =	simm.s32 @!p1 $0x0  }
0x14: {  	s2 =	sld [smem:$0x3F98];
	s0 =	simm.s32 @p1 $0x1  }
0x15: {  	[smem:$0x3FB5] =	sst s0;
	s0 =	simm.s32 @!p2 $0x0  }
0x16: {  	s3 =	sld [smem:$0x3FDB];
	s0 =	simm.s32 @p2 $0x1  }
0x17: {  	s4 =	simm.s32 $0x1BF5;
	[smem:$0x3FB7] =	sst s0  }
0x18: {  	s0 =	sld [smem:$0x3F9A];
	_ =	swait.ge [sflag:s4], $0x0  }
0x19: {  	s7 =	sld [smem:$0x3F9B]  }
0x1a: {  	s8 =	sadd.s32 $0xFFFFE003, lr  }
0x1b: {  	s9 =	sadd.s32 $0xFFFFFEF7, lr;
	s5 =	simm.s32 $0xFFFFFFFF;
	p2 =	slt.u32 s8, $0xFFFFF086  }
0x1c: {  	p1 =	slt.u32 s9, $0xF7A;
	s5 =	simm.s32 @!p2 $0x0  }
0x1d: {  	s5 =	simm.s32 @p1 $0x1;
	p0 =	seq.s32 s7, s2  }
0x1e: {  	s7 =	smul.u32 @!p0 $0xF7A, s2;
	p2 =	seq.s32 @!p0 s5, $0x0  }
0x1f: {  	s9 =	smul.u32 $0xF7A, s1;
	s8 =	simm.s32 @!p0 $0x1BF5;
	p2 =	por !p2, p0  }
0x20: {  	[sflag:s8] =	ssyncset.s32 @!p0 $0xFFFFF086;
	s6 =	sadd.s32 @!p0 s3, s7;
	s7 =	simm.s32 @!p0 $0x108  }
0x21: {  	s3 =	sadd.s32 s3, s9;
	s6 =	sadd.s32 @!p0 $0x88, s6;
	s7 =	simm.s32 @p2 $0x1082  }
0x22: {  	[simem:s7], [sflag:s8] =	dma.local @!p0 [hbm:s6], $0xF7A  }
0x23: {  	s9 =	sor.u32 $0xD0000000, s2;
	s6 =	simm.s32 $0x108;
	_ =	swait.ge @!p0 [sflag:s8], $0x0  }
0x24: {  	s3 =	sadd.s32 $0x88, s3;
	s6 =	simm.s32 @!p1 $0x1082;
	[sflag:s4] =	ssyncset.s32 $0xFFFFF086  }
0x25: {  	[simem:s6], [sflag:s4] =	dma.local [hbm:s3], $0xF7A  }
0x26: {  	[smem:$0x3F9B] =	sst s1;
	(tag) =	ssettag s2;
	_ =	strace s9  }
0x27: {  	s1 =	sld [smem:$0x3FAB]  }
0x28: {  	s2 =	sld [smem:$0x3FAC]  }
0x29: {  	s4 =	sld [smem:$0x3FAE]  }
0x2a: {  	p0 =	seq.s32 s5, $0x0;
	s5 =	sld [smem:$0x3FAF]  }
0x2b: {  	s6 =	sld [smem:$0x3FB0]  }
0x2c: {  	s7 =	sld [smem:$0x3FB1]  }
0x2d: {  	s3 =	simm.s32 $0x108;
	s8 =	sld [smem:$0x3FB2]  }
0x2e: {  	s3 =	simm.s32 @!p0 $0x1082;
	s9 =	sld [smem:$0x3FB3]  }
0x2f: {  	lr =	sadd.s32 s0, s3;
	s0 =	sld [smem:$0x3FAA]  }
0x30: {  	s3 =	sld [smem:$0x3FAD]  }
0x31: {  	[smem:$0x3FB6] =	sst s10  }
0x32: {  	s10 =	sld [smem:$0x3FB4];
	_ =	sdelay $0x3  }
0x33: {  	p0 =	seq.s32 s10, $0x1;
	s10 =	sld [smem:$0x3FB6];
	_ =	sdelay $0x3  }
0x34: {  	[smem:$0x3FB6] =	sst s10  }
0x35: {  	s10 =	sld [smem:$0x3FB5];
	_ =	sdelay $0x3  }
0x36: {  	p1 =	seq.s32 s10, $0x1;
	s10 =	sld [smem:$0x3FB6];
	_ =	sdelay $0x3  }
0x37: {  	[smem:$0x3FB6] =	sst s10  }
0x38: {  	s10 =	sld [smem:$0x3FB7]  }
0x39: {  	_ = 	snop;
	(pc) =	sbr.ind lr, $3  }
0x3a: {  	_ = 	snop  }
0x3b: {  	_ = 	snop  }
0x3c: {  	p2 =	seq.s32 s10, $0x1;
	s10 =	sld [smem:$0x3FB6]  }
0x3d: {  	_ =	shalt  }
0x3e: {  	_ =	shalt  }
0x3f: {  	_ =	shalt  }
0x40: {  	_ =	shalt  }
0x41: {  	_ =	shalt  }
0x42: {  	_ =	shalt  }
0x43: {  	_ =	shalt  }
0x44: {  	_ =	shalt  }
0x45: {  	_ =	shalt  }
0x46: {  	_ =	shalt  }
0x47: {  	_ =	shalt  }
0x48: {  	_ =	shalt  }
0x49: {  	_ =	shalt  }
0x4a: {  	_ =	shalt  }
0x4b: {  	_ =	shalt  }
0x4c: {  	_ =	shalt  }
0x4d: {  	_ =	shalt  }
0x4e: {  	_ =	shalt  }
0x4f: {  	_ =	shalt  }
0x50: {  	_ =	shalt  }
0x51: {  	_ =	shalt  }
0x52: {  	_ =	shalt  }
0x53: {  	_ =	shalt  }
0x54: {  	_ =	shalt  }
0x55: {  	_ =	shalt  }
0x56: {  	_ =	shalt  }
0x57: {  	_ =	shalt  }
0x58: {  	_ =	shalt  }
0x59: {  	_ =	shalt  }
0x5a: {  	_ =	shalt  }
0x5b: {  	_ =	shalt  }
0x5c: {  	_ =	shalt  }
0x5d: {  	_ =	shalt  }
0x5e: {  	_ =	shalt  }
0x5f: {  	_ =	shalt  }
0x60: {  	_ =	shalt  }
0x61: {  	_ =	shalt  }
0x62: {  	_ =	shalt  }
0x63: {  	_ =	shalt  }
0x64: {  	_ =	shalt  }
0x65: {  	_ =	shalt  }
0x66: {  	_ =	shalt  }
0x67: {  	_ =	shalt  }
0x68: {  	_ =	shalt  }
0x69: {  	_ =	shalt  }
0x6a: {  	_ =	shalt  }
0x6b: {  	_ =	shalt  }
0x6c: {  	_ =	shalt  }
0x6d: {  	_ =	shalt  }
0x6e: {  	_ =	shalt  }
0x6f: {  	_ =	shalt  }
0x70: {  	_ =	shalt  }
0x71: {  	_ =	shalt  }
0x72: {  	_ =	shalt  }
0x73: {  	_ =	shalt  }
0x74: {  	_ =	shalt  }
0x75: {  	_ =	shalt  }
0x76: {  	_ =	shalt  }
0x77: {  	_ =	shalt  }
0x78: {  	_ =	shalt  }
0x79: {  	_ =	shalt  }
0x7a: {  	_ =	shalt  }
0x7b: {  	_ =	shalt  }
0x7c: {  	_ =	shalt  }
0x7d: {  	_ =	shalt  }
0x7e: {  	_ =	shalt  }
0x7f: {  	_ =	shalt  }
0x80: {  	_ =	shalt  }
0x81: {  	_ =	shalt  }
0x82: {  	_ =	shalt  }
0x83: {  	_ =	shalt  }
0x84: {  	_ =	shalt  }
0x85: {  	_ =	shalt  }
0x86: {  	_ =	shalt  }
0x87: {  	_ =	shalt  }
.Lfunc_end0:
.L_simem_size_0:
called_computation.1_lowered:
.L_overlay_start_0:
0x88: {  	s2 =	sld [smem:$0x3FD9]  }
0x89: {  	s3 =	sld [smem:$0x3FFE];
	_ =	sdelay $0x1  }
0x8a: {  	s1 =	srdreg.scid  }
0x8b: {  	s0 =	sand.u32 $0x1, s1  }
0x8c: {  	s16 =	sshll.u32 s0, $0xA;
	s2 =	sadd.s32 s3, s2  }
0x8d: {  	s2 =	sadd.s32 s2, s16  }
0x8e: {  	[smem:$0x3FC2] =	sst s2  }
0x8f: {  	_ = 	snop  }
0x90: {  	(tm) =	ssettm $0x1  }
0x91: {  	s17 =	sld [smem:$0x3FFB];
	_ =	sdelay $0x3  }
0x92: {  	_ =	strace s17  }
0x93: {  	s2 =	sld [smem:$0x3FFC];
	_ =	sdelay $0x3  }
0x94: {  	_ =	strace s2  }
0x95: {  	s2 =	sld [smem:$0x3FFD];
	_ =	sdelay $0x3  }
0x96: {  	_ =	strace s2  }
0x97: {  	_ =	strace $0x8FFFFFFF  }
0x98: {  	s18 =	sld [smem:$0x3FDB];
	_ =	sdelay $0x1  }
0x99: {  	s19 =	simm.s32 $_scs_section_size  }
0x9a: {  	s4 =	simm.s32 $_size__tile_overlayer_lowered;
	s5 =	simm.s32 $_tile_overlayer_lowered  }
0x9b: {  	s22 =	simm.s32 $0x1BFF;
	s21 =	sshll.u32 s5, $0x1;
	s2 =	sadd.s32 s19, s18  }
0x9c: {  	s6 =	simm.s32 $0x0;
	s20 =	sshll.u32 s4, $0x1;
	s4 =	sadd.s32 s21, s2  }
0x9d: {  	[timem:s6], [sflag:s22] =	dma.local [hbm:s4], s20  }
0x9e: {  	_ =	swait.ge [sflag:s22], s20  }
0x9f: {  	s3 =	ssub.s32 $0x0, s20;
	[sflag:s22] =	ssyncset.done $0x0  }
0xa0: {  	[sflag:s22] =	ssyncadd.s32 s3;
	_ =	sdelay $0x1  }
0xa1: {  	s23 =	simm.s32 $0x1B8B  }
0xa2: {  	_ =	swait.ge [sflag:s23], $0x1  }
0xa3: {  	[sflag:s23] =	ssyncset.done $0x0  }
0xa4: {  	s25 =	simm.s32 $0x1B8E;
	s24 =	sld [smem:$0x3FFE];
	[sflag:s23] =	ssyncadd.s32 $0xFFFFFFFF  }
0xa5: {  	s26 =	simm.s32 $execute0_lowered;
	[smem:$0x3FD2] =	sst s25  }
0xa6: {  	s4 =	sshll.u32 s26, $0x1;
	_ =	strace $0x80000049;
	[dreg:$0x1] =	wrdreg $0xFFFFFFFF  }
0xa7: {  	s28 =	simm.s32 $_size_execute0_lowered;
	s2 =	sadd.s32 s2, s4;
	[dreg:$0x0] =	wrdreg $0x0  }
0xa8: {  	s4 =	sshll.u32 s28, $0x1;
	[dreg:$0x2] =	wrdreg s2  }
0xa9: {  	[dreg:$0x3] =	wrdreg s4  }
0xaa: {  	[dreg:$0x4] =	wrdreg $0xC0  }
0xab: {  	_ =	task [dreg:s6], $0x5FFFF  }
0xac: {  	[dreg:$0x1] =	wrdreg $0xFFFFFFFF  }
0xad: {  	[dreg:$0x0] =	wrdreg $0x60  }
0xae: {  	[dreg:$0x2] =	wrdreg s24  }
0xaf: {  	[dreg:$0x3] =	wrdreg $0xA0000  }
0xb0: {  	[dreg:$0x4] =	wrdreg $0x9  }
0xb1: {  	_ =	task.clear_ibuf [dreg:s6], $0x5FFFF;
	_ =	strace $0x90000049  }
0xb2: {  	s29 =	simm.s32 $0x9;
	_ =	strace $0x8000004B  }
0xb3: {  	_ =	swait.ge [sflag:s29], $0x1  }
0xb4: {  	[sflag:s29] =	ssyncadd.s32 $0xFFFFFFFF  }
0xb5: {  	_ =	strace $0x9000004B  }
0xb6: {  	_ =	sfence  }
0xb7: {  	s30 =	sld [smem:$0x0];
	_ =	sdelay $0x2  }
0xb8: {  	s31 =	sshll.u32 s1, $0xD;
	s1 =	sshrl.u32 s1, $0x2  }
0xb9: {  	s3 =	sand.u32 $0x4000, s31;
	s1 =	sadd.s32 s1, s30  }
0xba: {  	s0 =	sor.u32 s3, s0;
	s1 =	sshll.u32 s1, $0x11  }
0xbb: {  	s0 =	sor.u32 s1, s0  }
0xbc: {  	s0 =	sadd.s32 $0x8F2B, s0  }
0xbd: {  	[sflag:s0] =	ssyncadd.remote.s32 $0x1  }
0xbe: {  	_ =	sfence.sel $0xFFFF  }
0xbf: {  	[dreg:$0x0] =	wrdreg $0xFFFFFFFF;
	(pc) =	sbr.abs _section_cstart, $3  }
0xc0: {  	[dreg:$0x1] =	wrdreg $0xFFFFFFFF  }
0xc1: {  	_ =	task.clear_ibuf [dreg:s6], $0x2FFFF;
	_ =	strace $0x9FFFFFFF  }
0xc2: {  	(tm) =	ssettm $0x7FFFFFFF  }
0xc3: {  	_ =	shalt  }
tec
execute0_lowered:
.L_overlay_start_1:
0x0: {  	(tag) =	ssettag $0x1  }
0x1: {  	s15 =	rddreg [dreg:$0x0];
	s0 =	srdreg.scid  }
0x2: {  	s2 =	rddreg [dreg:$0x1];
	s26 =	stileid.u32  }
0x3: {  	s3 =	simm.s32 $0x0;
	s17 =	simm.s32 $0x38200;
	s20 =	simm.s32 $0x3  }
0x4: {  	s21 =	simm.s32 $0x1C00;
	s22 =	simm.s32 $0x64;
	s23 =	simm.s32 $0x6C00  }
0x5: {  	s24 =	simm.s32 $0x1;
	s25 =	simm.s32 $0x2;
	s28 =	simm.s32 $0x3400  }
0x6: {  	s29 =	simm.s32 $0x3480;
	s5 =	sand.u32 $0x1, s0;
	s7 =	smul.u32 $0x14000, s26  }
0x7: {  	[smem:$0x7FF] =	sst s3;
	s4 =	sadd.s32 $0x3F200, s15;
	s8 =	smul.u32 $0x50000, s26  }
0x8: {  	s18 =	sadd.s32 $0x31200, s15;
	s16 =	smul.u32 $0x3800, s26;
	s26 =	simm.s32 $0x1880  }
0x9: {  	s6 =	smul.u32 $0x140000, s5;
	_ =	strace $0x8000004A;
	s30 =	ssub.s32 $0x2, s5  }
0xa: {  	p0 =	seq.s32 s5, $0x1;
	s9 =	sshrl.u32 s30, $0x1;
	s8 =	sshrl.u32 s8, $0x2  }
0xb: {  	s17 =	simm.s32 @!p0 $0x2A200;
	s19 =	sshrl.u32 s16, $0x3;
	s6 =	sadd.s32 s7, s6  }
0xc: {  	s7 =	ssub.s32 s30, s9;
	s17 =	sadd.s32 s17, s15;
	s6 =	sshrl.u32 s6, $0x3  }
0xd: {  	s16 =	sadd.s32 s18, s19;
	s7 =	smax.u32 s7, $0x1;
	s6 =	sadd.s32 s6, s15  }
0xe: {  	s15 =	sadd.s32 s17, s19;
	s19 =	sadd.s32 $0x380, s19;
	s31 =	sadd.s32 $0x8D400, s6  }
0xf: {  	s6 =	sadd.s32 s8, s2;
	s17 =	sadd.s32 s17, s19;
	s18 =	sadd.s32 s18, s19  }
0x10: {  	s19 =	simm.s32 $0x3800;
	[dreg:$0x3] =	wrdreg s31;
	s8 =	sadd.s32 $0x2800, s6  }
0x11: {  	s9 =	sadd.s32 $0x5000, s6;
	s10 =	sadd.s32 $0x7800, s6;
	s11 =	sadd.s32 $0xA000, s6  }
0x12: {  	v0 =	vimm.f32 $0.0e+00;
	s12 =	sadd.s32 $0xC800, s6;
	s13 =	sadd.s32 $0xF000, s6;
	s14 =	sadd.s32 $0x11800, s6  }
.LBB2_1:
0x13: {  	s30 =	simm.s32 $0x70;
	s31 =	simm.s32 $0x3C0  }
.LBB2_2:
0x14: {  	p0 =	sne.s32 s31, $0xC7C0;
	[tilespmem:s30+$0x3800] =	vst v0  }
0x15: {  	[tilespmem:s30+$0x3790] =	vst v0  }
0x16: {  	[tilespmem:s30+$0x37A0] =	vst v0  }
.Ltmp0:
0x17: {  	[tilespmem:s30+$0x37B0] =	vst v0;
	(pc) =	sbr.rel @p0 .LBB2_2-.Ltmp0, $4  }
0x18: {  	[tilespmem:s30+$0x37C0] =	vst v0  }
0x19: {  	[tilespmem:s30+$0x37D0] =	vst v0  }
0x1a: {  	[tilespmem:s30+$0x37E0] =	vst v0  }
0x1b: {  	[tilespmem:s30+$0x37F0] =	vst v0;
	s30 =	sshra.s32 s31, $0x2;
	s31 =	sadd.s32 $0x200, s31  }
0x1c: {  	[tilespmem:s30+$0x3800] =	vst v0  }
0x1d: {  	[tilespmem:s30+$0x3790] =	vst v0  }
0x1e: {  	[tilespmem:s30+$0x37A0] =	vst v0  }
0x1f: {  	[tilespmem:s30+$0x37B0] =	vst v0  }
0x20: {  	[tilespmem:s30+$0x37C0] =	vst v0  }
0x21: {  	[tilespmem:s30+$0x37D0] =	vst v0  }
0x22: {  	[tilespmem:s30+$0x37E0] =	vst v0  }
0x23: {  	[tilespmem:s30+$0x37F0] =	vst v0  }
0x24: {  	[spmem:s6] =	stream.linear.scatter [tilespmem:s19], [sflag:$0x3], $0x2800, $0x38;
	[tilespmem:$0x1E000] =	vst v63  }
0x25: {  	_ =	swait.ge [sflag:s20], $0x2800  }
0x26: {  	[sflag:s20] =	ssyncset.done $0x0  }
0x27: {  	[sflag:s20] =	ssyncadd.s32 $0xFFFFD800  }
0x28: {  	[spmem:s8] =	stream.linear.scatter [tilespmem:s19], [sflag:$0x3], $0x2800, $0x38;
	[tilespmem:$0x1E000] =	vst v63  }
0x29: {  	_ =	swait.ge [sflag:s20], $0x2800  }
0x2a: {  	[sflag:s20] =	ssyncset.done $0x0  }
0x2b: {  	[sflag:s20] =	ssyncadd.s32 $0xFFFFD800  }
0x2c: {  	[spmem:s9] =	stream.linear.scatter [tilespmem:s19], [sflag:$0x3], $0x2800, $0x38;
	[tilespmem:$0x1E000] =	vst v63  }
0x2d: {  	_ =	swait.ge [sflag:s20], $0x2800  }
0x2e: {  	[sflag:s20] =	ssyncset.done $0x0  }
0x2f: {  	[sflag:s20] =	ssyncadd.s32 $0xFFFFD800  }
0x30: {  	[spmem:s10] =	stream.linear.scatter [tilespmem:s19], [sflag:$0x3], $0x2800, $0x38;
	[tilespmem:$0x1E000] =	vst v63  }
0x31: {  	_ =	swait.ge [sflag:s20], $0x2800  }
0x32: {  	[sflag:s20] =	ssyncset.done $0x0  }
0x33: {  	[sflag:s20] =	ssyncadd.s32 $0xFFFFD800  }
0x34: {  	[spmem:s11] =	stream.linear.scatter [tilespmem:s19], [sflag:$0x3], $0x2800, $0x38;
	[tilespmem:$0x1E000] =	vst v63  }
0x35: {  	_ =	swait.ge [sflag:s20], $0x2800  }
0x36: {  	[sflag:s20] =	ssyncset.done $0x0  }
0x37: {  	[sflag:s20] =	ssyncadd.s32 $0xFFFFD800  }
0x38: {  	[spmem:s12] =	stream.linear.scatter [tilespmem:s19], [sflag:$0x3], $0x2800, $0x38;
	[tilespmem:$0x1E000] =	vst v63  }
0x39: {  	_ =	swait.ge [sflag:s20], $0x2800  }
0x3a: {  	[sflag:s20] =	ssyncset.done $0x0  }
0x3b: {  	[sflag:s20] =	ssyncadd.s32 $0xFFFFD800  }
0x3c: {  	[spmem:s13] =	stream.linear.scatter [tilespmem:s19], [sflag:$0x3], $0x2800, $0x38;
	[tilespmem:$0x1E000] =	vst v63  }
0x3d: {  	_ =	swait.ge [sflag:s20], $0x2800  }
0x3e: {  	[sflag:s20] =	ssyncset.done $0x0  }
0x3f: {  	[sflag:s20] =	ssyncadd.s32 $0xFFFFD800  }
0x40: {  	[spmem:s14] =	stream.linear.scatter [tilespmem:s19], [sflag:$0x3], $0x2800, $0x38;
	[tilespmem:$0x1E000] =	vst v63  }
0x41: {  	_ =	swait.ge [sflag:s20], $0x2800  }
0x42: {  	[sflag:s20] =	ssyncset.done $0x0  }
0x43: {  	[sflag:s20] =	ssyncadd.s32 $0xFFFFD800  }
0x44: {  	s30 =	simm.s32 $0x0;
	[bflag:$0x0] =	sbarrier.arrive $0xFFFF  }
0x45: {  	[tilespmem:s30], [sflag:$0x3] =	stream.linear.gather [hbm4b:s15+s30], $0x1900, $0x38;
	[tilespmem:$0x1E000] =	vst v63  }
0x46: {  	_ =	swait.ge [sflag:s20], $0x1900  }
0x47: {  	[sflag:s20] =	ssyncset.done $0x0  }
0x48: {  	[sflag:s20] =	ssyncadd.s32 $0xFFFFE700  }
0x49: {  	[tilespmem:s21], [sflag:$0x3] =	stream.linear.gather [hbm4b:s16+s30], $0x1900, $0x38;
	[tilespmem:$0x1E000] =	vst v63  }
0x4a: {  	_ =	swait.ge [sflag:s20], $0x1900  }
0x4b: {  	[sflag:s20] =	ssyncset.done $0x0  }
0x4c: {  	[sflag:s20] =	ssyncadd.s32 $0xFFFFE700  }
0x4d: {  	[tilespmem:s19], [sflag:$0x1] =	stream.indirect.gather [hbm4b:s4+s22], $0x80, s30, s22, $0xb8;
	[tilespmem:$0x1E000] =	vst v63  }
0x4e: {  	s30 =	simm.s32 $0x80  }
0x4f: {  	[tilespmem:s23], [sflag:$0x2] =	stream.indirect.gather [hbm4b:s4+s22], $0x80, s30, s22, $0xb8;
	[tilespmem:$0x1E000] =	vst v63  }
0x50: {  	_ =	swait.ge [sflag:s24], $0x3200  }
0x51: {  	[sflag:s24] =	ssyncset.done $0x0  }
0x52: {  	s30 =	simm.s32 $0x1C00;
	[sflag:s24] =	ssyncadd.s32 $0xFFFFCE00  }
0x53: {  	[spmem:s2] =	stream.indirect.scatter.add.f32 [tilespmem:s19], [sflag:$0x3], $0x80, s30, s22, $0xb8;
	[tilespmem:$0x1E000] =	vst v63  }
0x54: {  	_ =	swait.ge [sflag:s20], $0x3200  }
0x55: {  	[sflag:s20] =	ssyncset.done $0x0  }
0x56: {  	s30 =	simm.s32 $0x100;
	[sflag:s20] =	ssyncadd.s32 $0xFFFFCE00  }
0x57: {  	[tilespmem:s19], [sflag:$0x1] =	stream.indirect.gather [hbm4b:s4+s22], $0x80, s30, s22, $0xb8;
	[tilespmem:$0x1E000] =	vst v63  }
0x58: {  	_ =	swait.ge [sflag:s25], $0x3200  }
0x59: {  	[sflag:s25] =	ssyncset.done $0x0  }
0x5a: {  	s30 =	simm.s32 $0x1C80;
	[sflag:s25] =	ssyncadd.s32 $0xFFFFCE00  }
0x5b: {  	[spmem:s2] =	stream.indirect.scatter.add.f32 [tilespmem:s23], [sflag:$0x3], $0x80, s30, s22, $0xb8;
	[tilespmem:$0x1E000] =	vst v63  }
0x5c: {  	_ =	swait.ge [sflag:s20], $0x3200  }
0x5d: {  	s31 =	simm.s32 $0x800;
	s30 =	simm.s32 $0x100;
	[sflag:s20] =	ssyncset.done $0x0  }
.LBB2_4:
0x5e: {  	s0 =	sadd.s32 $0x80, s30  }
0x5f: {  	[sflag:s20] =	ssyncadd.s32 $0xFFFFCE00;
	s1 =	smov.u32 s31;
	s5 =	sadd.s32 $0x400, s31  }
0x60: {  	[tilespmem:s23], [sflag:$0x2] =	stream.indirect.gather [hbm4b:s4+s22], $0x80, s0, s22, $0xb8;
	[tilespmem:$0x1E000] =	vst v63  }
0x61: {  	p0 =	sne.s32 s31, $0x5C00;
	_ =	swait.ge [sflag:s24], $0x3200  }
0x62: {  	[sflag:s24] =	ssyncset.done $0x0  }
0x63: {  	s0 =	sadd.s32 $0x1C00, s30;
	[sflag:s24] =	ssyncadd.s32 $0xFFFFCE00  }
0x64: {  	[spmem:s2] =	stream.indirect.scatter.add.f32 [tilespmem:s19], [sflag:$0x3], $0x80, s0, s22, $0xb8;
	[tilespmem:$0x1E000] =	vst v63  }
0x65: {  	_ =	swait.ge [sflag:s20], $0x3200  }
0x66: {  	[sflag:s20] =	ssyncset.done $0x0  }
0x67: {  	s0 =	sadd.s32 $0x100, s30;
	[sflag:s20] =	ssyncadd.s32 $0xFFFFCE00  }
0x68: {  	[tilespmem:s19], [sflag:$0x1] =	stream.indirect.gather [hbm4b:s4+s22], $0x80, s0, s22, $0xb8;
	[tilespmem:$0x1E000] =	vst v63  }
0x69: {  	_ =	swait.ge [sflag:s25], $0x3200  }
.Ltmp1:
0x6a: {  	[sflag:s25] =	ssyncset.done $0x0;
	(pc) =	sbr.rel @p0 .LBB2_4-.Ltmp1, $4  }
0x6b: {  	s0 =	sadd.s32 $0x1C80, s30;
	[sflag:s25] =	ssyncadd.s32 $0xFFFFCE00  }
0x6c: {  	[spmem:s2] =	stream.indirect.scatter.add.f32 [tilespmem:s23], [sflag:$0x3], $0x80, s0, s22, $0xb8;
	[tilespmem:$0x1E000] =	vst v63  }
0x6d: {  	_ =	swait.ge [sflag:s20], $0x3200  }
0x6e: {  	s31 =	smov.u32 s5;
	s30 =	sshra.s32 s1, $0x2;
	[sflag:s20] =	ssyncset.done $0x0  }
0x6f: {  	s0 =	sadd.s32 $0x80, s30;
	[sflag:s20] =	ssyncadd.s32 $0xFFFFCE00  }
0x70: {  	[tilespmem:s23], [sflag:$0x2] =	stream.indirect.gather [hbm4b:s4+s22], $0x80, s0, s22, $0xb8;
	[tilespmem:$0x1E000] =	vst v63  }
0x71: {  	_ =	swait.ge [sflag:s24], $0x3200  }
0x72: {  	[sflag:s24] =	ssyncset.done $0x0  }
0x73: {  	s1 =	sadd.s32 $0x1C00, s30;
	[sflag:s24] =	ssyncadd.s32 $0xFFFFCE00  }
0x74: {  	[spmem:s2] =	stream.indirect.scatter.add.f32 [tilespmem:s19], [sflag:$0x3], $0x80, s1, s22, $0xb8;
	[tilespmem:$0x1E000] =	vst v63  }
0x75: {  	_ =	swait.ge [sflag:s20], $0x3200  }
0x76: {  	[sflag:s20] =	ssyncset.done $0x0  }
0x77: {  	s5 =	sadd.s32 $0x100, s30;
	[sflag:s20] =	ssyncadd.s32 $0xFFFFCE00  }
0x78: {  	[tilespmem:s19], [sflag:$0x1] =	stream.indirect.gather [hbm4b:s4+s22], $0x80, s5, s22, $0xb8;
	[tilespmem:$0x1E000] =	vst v63  }
0x79: {  	_ =	swait.ge [sflag:s25], $0x3200  }
0x7a: {  	[sflag:s25] =	ssyncset.done $0x0  }
0x7b: {  	s1 =	sadd.s32 $0x1C80, s30;
	[sflag:s25] =	ssyncadd.s32 $0xFFFFCE00  }
0x7c: {  	[spmem:s2] =	stream.indirect.scatter.add.f32 [tilespmem:s23], [sflag:$0x3], $0x80, s1, s22, $0xb8;
	[tilespmem:$0x1E000] =	vst v63  }
0x7d: {  	_ =	swait.ge [sflag:s20], $0x3200  }
0x7e: {  	[sflag:s20] =	ssyncset.done $0x0  }
0x7f: {  	[sflag:s20] =	ssyncadd.s32 $0xFFFFCE00  }
0x80: {  	[tilespmem:s23], [sflag:$0x2] =	stream.indirect.gather [hbm4b:s4+s22], $0x80, s26, s22, $0xb8;
	[tilespmem:$0x1E000] =	vst v63  }
0x81: {  	_ =	swait.ge [sflag:s24], $0x3200  }
0x82: {  	[sflag:s24] =	ssyncset.done $0x0  }
0x83: {  	[sflag:s24] =	ssyncadd.s32 $0xFFFFCE00  }
0x84: {  	[spmem:s2] =	stream.indirect.scatter.add.f32 [tilespmem:s19], [sflag:$0x3], $0x80, s28, s22, $0xb8;
	[tilespmem:$0x1E000] =	vst v63  }
0x85: {  	_ =	swait.ge [sflag:s20], $0x3200  }
0x86: {  	[sflag:s20] =	ssyncset.done $0x0  }
0x87: {  	[sflag:s20] =	ssyncadd.s32 $0xFFFFCE00  }
0x88: {  	_ =	swait.ge [sflag:s25], $0x3200  }
0x89: {  	[sflag:s25] =	ssyncset.done $0x0  }
0x8a: {  	[sflag:s25] =	ssyncadd.s32 $0xFFFFCE00  }
0x8b: {  	[spmem:s2] =	stream.indirect.scatter.add.f32 [tilespmem:s23], [sflag:$0x3], $0x80, s29, s22, $0xb8;
	[tilespmem:$0x1E000] =	vst v63  }
0x8c: {  	_ =	swait.ge [sflag:s20], $0x3200  }
0x8d: {  	[sflag:s20] =	ssyncset.done $0x0  }
0x8e: {  	s5 =	simm.s32 $0x0;
	[sflag:s20] =	ssyncadd.s32 $0xFFFFCE00  }
0x8f: {  	[tilespmem:s5], [sflag:$0x3] =	stream.linear.gather [hbm4b:s17+s5], $0x1900, $0x38;
	[tilespmem:$0x1E000] =	vst v63  }
0x90: {  	_ =	swait.ge [sflag:s20], $0x1900  }
0x91: {  	[sflag:s20] =	ssyncset.done $0x0  }
0x92: {  	[sflag:s20] =	ssyncadd.s32 $0xFFFFE700  }
0x93: {  	[tilespmem:s21], [sflag:$0x3] =	stream.linear.gather [hbm4b:s18+s5], $0x1900, $0x38;
	[tilespmem:$0x1E000] =	vst v63  }
0x94: {  	_ =	swait.ge [sflag:s20], $0x1900  }
0x95: {  	[sflag:s20] =	ssyncset.done $0x0  }
0x96: {  	[sflag:s20] =	ssyncadd.s32 $0xFFFFE700  }
0x97: {  	[tilespmem:s19], [sflag:$0x1] =	stream.indirect.gather [hbm4b:s4+s22], $0x80, s5, s22, $0xb8;
	[tilespmem:$0x1E000] =	vst v63  }
0x98: {  	s1 =	simm.s32 $0x80  }
0x99: {  	[tilespmem:s23], [sflag:$0x2] =	stream.indirect.gather [hbm4b:s4+s22], $0x80, s1, s22, $0xb8;
	[tilespmem:$0x1E000] =	vst v63  }
0x9a: {  	_ =	swait.ge [sflag:s24], $0x3200  }
0x9b: {  	[sflag:s24] =	ssyncset.done $0x0  }
0x9c: {  	s5 =	simm.s32 $0x1C00;
	[sflag:s24] =	ssyncadd.s32 $0xFFFFCE00  }
0x9d: {  	[spmem:s2] =	stream.indirect.scatter.add.f32 [tilespmem:s19], [sflag:$0x3], $0x80, s5, s22, $0xb8;
	[tilespmem:$0x1E000] =	vst v63  }
0x9e: {  	_ =	swait.ge [sflag:s20], $0x3200  }
0x9f: {  	[sflag:s20] =	ssyncset.done $0x0  }
0xa0: {  	s1 =	simm.s32 $0x100;
	[sflag:s20] =	ssyncadd.s32 $0xFFFFCE00  }
0xa1: {  	[tilespmem:s19], [sflag:$0x1] =	stream.indirect.gather [hbm4b:s4+s22], $0x80, s1, s22, $0xb8;
	[tilespmem:$0x1E000] =	vst v63  }
0xa2: {  	_ =	swait.ge [sflag:s25], $0x3200  }
0xa3: {  	[sflag:s25] =	ssyncset.done $0x0  }
0xa4: {  	s5 =	simm.s32 $0x1C80;
	[sflag:s25] =	ssyncadd.s32 $0xFFFFCE00  }
0xa5: {  	[spmem:s2] =	stream.indirect.scatter.add.f32 [tilespmem:s23], [sflag:$0x3], $0x80, s5, s22, $0xb8;
	[tilespmem:$0x1E000] =	vst v63  }
0xa6: {  	_ =	swait.ge [sflag:s20], $0x3200  }
0xa7: {  	s31 =	simm.s32 $0x800;
	s30 =	simm.s32 $0x100;
	[sflag:s20] =	ssyncset.done $0x0  }
.LBB2_6:
0xa8: {  	s0 =	sadd.s32 $0x80, s30  }
0xa9: {  	[sflag:s20] =	ssyncadd.s32 $0xFFFFCE00;
	s1 =	smov.u32 s31;
	s5 =	sadd.s32 $0x400, s31  }
0xaa: {  	[tilespmem:s23], [sflag:$0x2] =	stream.indirect.gather [hbm4b:s4+s22], $0x80, s0, s22, $0xb8;
	[tilespmem:$0x1E000] =	vst v63  }
0xab: {  	p0 =	sne.s32 s31, $0x5C00;
	_ =	swait.ge [sflag:s24], $0x3200  }
0xac: {  	[sflag:s24] =	ssyncset.done $0x0  }
0xad: {  	s0 =	sadd.s32 $0x1C00, s30;
	[sflag:s24] =	ssyncadd.s32 $0xFFFFCE00  }
0xae: {  	[spmem:s2] =	stream.indirect.scatter.add.f32 [tilespmem:s19], [sflag:$0x3], $0x80, s0, s22, $0xb8;
	[tilespmem:$0x1E000] =	vst v63  }
0xaf: {  	_ =	swait.ge [sflag:s20], $0x3200  }
0xb0: {  	[sflag:s20] =	ssyncset.done $0x0  }
0xb1: {  	s0 =	sadd.s32 $0x100, s30;
	[sflag:s20] =	ssyncadd.s32 $0xFFFFCE00  }
0xb2: {  	[tilespmem:s19], [sflag:$0x1] =	stream.indirect.gather [hbm4b:s4+s22], $0x80, s0, s22, $0xb8;
	[tilespmem:$0x1E000] =	vst v63  }
0xb3: {  	_ =	swait.ge [sflag:s25], $0x3200  }
.Ltmp2:
0xb4: {  	[sflag:s25] =	ssyncset.done $0x0;
	(pc) =	sbr.rel @p0 .LBB2_6-.Ltmp2, $4  }
0xb5: {  	s0 =	sadd.s32 $0x1C80, s30;
	[sflag:s25] =	ssyncadd.s32 $0xFFFFCE00  }
0xb6: {  	[spmem:s2] =	stream.indirect.scatter.add.f32 [tilespmem:s23], [sflag:$0x3], $0x80, s0, s22, $0xb8;
	[tilespmem:$0x1E000] =	vst v63  }
0xb7: {  	_ =	swait.ge [sflag:s20], $0x3200  }
0xb8: {  	s31 =	smov.u32 s5;
	s30 =	sshra.s32 s1, $0x2;
	[sflag:s20] =	ssyncset.done $0x0  }
0xb9: {  	s0 =	sadd.s32 $0x80, s30;
	[sflag:s20] =	ssyncadd.s32 $0xFFFFCE00  }
0xba: {  	[tilespmem:s23], [sflag:$0x2] =	stream.indirect.gather [hbm4b:s4+s22], $0x80, s0, s22, $0xb8;
	[tilespmem:$0x1E000] =	vst v63  }
0xbb: {  	_ =	swait.ge [sflag:s24], $0x3200  }
0xbc: {  	[sflag:s24] =	ssyncset.done $0x0  }
0xbd: {  	s1 =	sadd.s32 $0x1C00, s30;
	[sflag:s24] =	ssyncadd.s32 $0xFFFFCE00  }
0xbe: {  	[spmem:s2] =	stream.indirect.scatter.add.f32 [tilespmem:s19], [sflag:$0x3], $0x80, s1, s22, $0xb8;
	[tilespmem:$0x1E000] =	vst v63  }
0xbf: {  	_ =	swait.ge [sflag:s20], $0x3200  }
0xc0: {  	[sflag:s20] =	ssyncset.done $0x0  }
0xc1: {  	s5 =	sadd.s32 $0x100, s30;
	[sflag:s20] =	ssyncadd.s32 $0xFFFFCE00  }
0xc2: {  	[tilespmem:s19], [sflag:$0x1] =	stream.indirect.gather [hbm4b:s4+s22], $0x80, s5, s22, $0xb8;
	[tilespmem:$0x1E000] =	vst v63  }
0xc3: {  	_ =	swait.ge [sflag:s25], $0x3200  }
0xc4: {  	[sflag:s25] =	ssyncset.done $0x0  }
0xc5: {  	s30 =	sadd.s32 $0x1C80, s30;
	[sflag:s25] =	ssyncadd.s32 $0xFFFFCE00  }
0xc6: {  	[spmem:s2] =	stream.indirect.scatter.add.f32 [tilespmem:s23], [sflag:$0x3], $0x80, s30, s22, $0xb8;
	[tilespmem:$0x1E000] =	vst v63  }
0xc7: {  	_ =	swait.ge [sflag:s20], $0x3200  }
0xc8: {  	[sflag:s20] =	ssyncset.done $0x0  }
0xc9: {  	[sflag:s20] =	ssyncadd.s32 $0xFFFFCE00  }
0xca: {  	[tilespmem:s23], [sflag:$0x2] =	stream.indirect.gather [hbm4b:s4+s22], $0x80, s26, s22, $0xb8;
	[tilespmem:$0x1E000] =	vst v63  }
0xcb: {  	_ =	swait.ge [sflag:s24], $0x3200  }
0xcc: {  	[sflag:s24] =	ssyncset.done $0x0  }
0xcd: {  	[sflag:s24] =	ssyncadd.s32 $0xFFFFCE00  }
0xce: {  	[spmem:s2] =	stream.indirect.scatter.add.f32 [tilespmem:s19], [sflag:$0x3], $0x80, s28, s22, $0xb8;
	[tilespmem:$0x1E000] =	vst v63  }
0xcf: {  	_ =	swait.ge [sflag:s20], $0x3200  }
0xd0: {  	[sflag:s20] =	ssyncset.done $0x0  }
0xd1: {  	[sflag:s20] =	ssyncadd.s32 $0xFFFFCE00  }
0xd2: {  	_ =	swait.ge [sflag:s25], $0x3200  }
0xd3: {  	[sflag:s25] =	ssyncset.done $0x0  }
0xd4: {  	[sflag:s25] =	ssyncadd.s32 $0xFFFFCE00  }
0xd5: {  	[spmem:s2] =	stream.indirect.scatter.add.f32 [tilespmem:s23], [sflag:$0x3], $0x80, s29, s22, $0xb8;
	[tilespmem:$0x1E000] =	vst v63  }
0xd6: {  	_ =	swait.ge [sflag:s20], $0x3200  }
0xd7: {  	s31 =	stileid.u32;
	[sflag:s20] =	ssyncset.done $0x0  }
0xd8: {  	s3 =	sadd.s32 $0x1, s3;
	s0 =	sshll.u32 s31, $0x6;
	[sflag:s20] =	ssyncadd.s32 $0xFFFFCE00  }
0xd9: {  	p0 =	sne.s32 s3, s7;
	s0 =	sor.u32 $0x1C03, s0;
	[bflag:$0x0] =	sbarrier.arrive $0xFFFF  }
.Ltmp3:
0xda: {  	s1 =	sshrl.u32 s6, $0x3;
	s5 =	rddreg [dreg:$0x3];
	(pc) =	sbr.rel @p0 .LBB2_1-.Ltmp3, $4  }
0xdb: {  	[hbm:s5], [sflag:s0] =	dma.local [spmem:s1], $0x2800  }
0xdc: {  	_ =	swait.ge [sflag:s20], $0x2800  }
0xdd: {  	[sflag:s20] =	ssyncset.done $0x0  }
0xde: {  	[sflag:s20] =	ssyncadd.s32 $0xFFFFD800  }
0xdf: {  	_ =	sfence.sel $0x180000  }
0xe0: {  	[bflag:$0x0] =	sbarrier.arrive $0xFFFF  }
0xe1: {  	_ =	strace $0x9000004A  }
0xe2: {  	s0 =	stileid.u32;
	[bflag:$0x2] =	sbarrier.arrive $0xFFFF  }
0xe3: {  	p0 =	sne.s32 s0, $0x0;
	s0 =	rddreg [dreg:$0x2]  }
0xe4: {  	s0 =	sadd.s32 @!p0 $0x100000, s0  }
0xe5: {  	[sflag:s0] =	ssyncadd.tile.s32 @!p0 $0x1;
	_ =	shalt  }
.Lfunc_end2:
_tile_overlayer_lowered:
.L_overlay_start_2:
0xe6: {  	(tag) =	ssettag $0x2  }
0xe7: {  	s0 =	rddreg [dreg:$0x0];
	s2 =	stileid.u32  }
0xe8: {  	s1 =	rddreg [dreg:$0x1];
	p0 =	sne.s32 s2, $0x0  }
0xe9: {  	s3 =	rddreg [dreg:$0x2];
	[bflag:$0x3] =	sbarrier.arrive $0xFFFF;
	s2 =	simm.s32 @!p0 $0x1C03  }
0xea: {  	[timem:s3], [sflag:s2] =	dma.local @!p0 [hbm:s0], s1  }
0xeb: {  	s0 =	simm.s32 @!p0 $0x3  }
0xec: {  	_ =	swait.ge @!p0 [sflag:s0], s1  }
0xed: {  	s1 =	ssub.s32 @!p0 $0x0, s1;
	[sflag:s0] =	ssyncset.done @!p0 $0x0  }
0xee: {  	[sflag:s0] =	ssyncadd.s32 @!p0 s1  }
0xef: {  	[bflag:$0x3] =	sbarrier.arrive $0xFFFF  }
0xf0: {  	_ =	shalt  }

// kernel: kernel.7.cloned.1.call-start
scs
__scs_entry_jumppad:
0x0: {  	(pc) =	sbr.rel $0x88, $3  }
0x1: {  	(tag) =	ssettag $0x0;
	lr =	simm.s32 $0x1  }
0x2: {  	[smem:$0x3F9B] =	sst lr;
	_ =	strace $0xD0000000  }
0x3: {  	_ = 	snop  }
0x4: {  	_ = 	snop  }
0x5: {  	_ = 	snop  }
0x6: {  	_ = 	snop  }
0x7: {  	_ = 	snop  }
__scs_overlays_trampoline_lowered:
0x8: {  	[smem:$0x3FAA] =	sst s0  }
0x9: {  	[smem:$0x3FAB] =	sst s1  }
0xa: {  	[smem:$0x3FAC] =	sst s2  }
0xb: {  	[smem:$0x3FAD] =	sst s3  }
0xc: {  	[smem:$0x3FAE] =	sst s4  }
0xd: {  	[smem:$0x3FAF] =	sst s5  }
0xe: {  	[smem:$0x3FB0] =	sst s6  }
0xf: {  	[smem:$0x3FB1] =	sst s7  }
0x10: {  	[smem:$0x3FB2] =	sst s8  }
0x11: {  	[smem:$0x3FB3] =	sst s9;
	s0 =	simm.s32 @!p0 $0x0  }
0x12: {  	s1 =	sld [smem:$0x3F99];
	s0 =	simm.s32 @p0 $0x1  }
0x13: {  	[smem:$0x3FB4] =	sst s0;
	s0 =	simm.s32 @!p1 $0x0  }
0x14: {  	s2 =	sld [smem:$0x3F98];
	s0 =	simm.s32 @p1 $0x1  }
0x15: {  	[smem:$0x3FB5] =	sst s0;
	s0 =	simm.s32 @!p2 $0x0  }
0x16: {  	s3 =	sld [smem:$0x3FDB];
	s0 =	simm.s32 @p2 $0x1  }
0x17: {  	s4 =	simm.s32 $0x1BF5;
	[smem:$0x3FB7] =	sst s0  }
0x18: {  	s0 =	sld [smem:$0x3F9A];
	_ =	swait.ge [sflag:s4], $0x0  }
0x19: {  	s7 =	sld [smem:$0x3F9B]  }
0x1a: {  	s8 =	sadd.s32 $0xFFFFE003, lr  }
0x1b: {  	s9 =	sadd.s32 $0xFFFFFEF7, lr;
	s5 =	simm.s32 $0xFFFFFFFF;
	p2 =	slt.u32 s8, $0xFFFFF086  }
0x1c: {  	p1 =	slt.u32 s9, $0xF7A;
	s5 =	simm.s32 @!p2 $0x0  }
0x1d: {  	s5 =	simm.s32 @p1 $0x1;
	p0 =	seq.s32 s7, s2  }
0x1e: {  	s7 =	smul.u32 @!p0 $0xF7A, s2;
	p2 =	seq.s32 @!p0 s5, $0x0  }
0x1f: {  	s9 =	smul.u32 $0xF7A, s1;
	s8 =	simm.s32 @!p0 $0x1BF5;
	p2 =	por !p2, p0  }
0x20: {  	[sflag:s8] =	ssyncset.s32 @!p0 $0xFFFFF086;
	s6 =	sadd.s32 @!p0 s3, s7;
	s7 =	simm.s32 @!p0 $0x108  }
0x21: {  	s3 =	sadd.s32 s3, s9;
	s6 =	sadd.s32 @!p0 $0x88, s6;
	s7 =	simm.s32 @p2 $0x1082  }
0x22: {  	[simem:s7], [sflag:s8] =	dma.local @!p0 [hbm:s6], $0xF7A  }
0x23: {  	s9 =	sor.u32 $0xD0000000, s2;
	s6 =	simm.s32 $0x108;
	_ =	swait.ge @!p0 [sflag:s8], $0x0  }
0x24: {  	s3 =	sadd.s32 $0x88, s3;
	s6 =	simm.s32 @!p1 $0x1082;
	[sflag:s4] =	ssyncset.s32 $0xFFFFF086  }
0x25: {  	[simem:s6], [sflag:s4] =	dma.local [hbm:s3], $0xF7A  }
0x26: {  	[smem:$0x3F9B] =	sst s1;
	(tag) =	ssettag s2;
	_ =	strace s9  }
0x27: {  	s1 =	sld [smem:$0x3FAB]  }
0x28: {  	s2 =	sld [smem:$0x3FAC]  }
0x29: {  	s4 =	sld [smem:$0x3FAE]  }
0x2a: {  	p0 =	seq.s32 s5, $0x0;
	s5 =	sld [smem:$0x3FAF]  }
0x2b: {  	s6 =	sld [smem:$0x3FB0]  }
0x2c: {  	s7 =	sld [smem:$0x3FB1]  }
0x2d: {  	s3 =	simm.s32 $0x108;
	s8 =	sld [smem:$0x3FB2]  }
0x2e: {  	s3 =	simm.s32 @!p0 $0x1082;
	s9 =	sld [smem:$0x3FB3]  }
0x2f: {  	lr =	sadd.s32 s0, s3;
	s0 =	sld [smem:$0x3FAA]  }
0x30: {  	s3 =	sld [smem:$0x3FAD]  }
0x31: {  	[smem:$0x3FB6] =	sst s10  }
0x32: {  	s10 =	sld [smem:$0x3FB4];
	_ =	sdelay $0x3  }
0x33: {  	p0 =	seq.s32 s10, $0x1;
	s10 =	sld [smem:$0x3FB6];
	_ =	sdelay $0x3  }
0x34: {  	[smem:$0x3FB6] =	sst s10  }
0x35: {  	s10 =	sld [smem:$0x3FB5];
	_ =	sdelay $0x3  }
0x36: {  	p1 =	seq.s32 s10, $0x1;
	s10 =	sld [smem:$0x3FB6];
	_ =	sdelay $0x3  }
0x37: {  	[smem:$0x3FB6] =	sst s10  }
0x38: {  	s10 =	sld [smem:$0x3FB7]  }
0x39: {  	_ = 	snop;
	(pc) =	sbr.ind lr, $3  }
0x3a: {  	_ = 	snop  }
0x3b: {  	_ = 	snop  }
0x3c: {  	p2 =	seq.s32 s10, $0x1;
	s10 =	sld [smem:$0x3FB6]  }
0x3d: {  	_ =	shalt  }
0x3e: {  	_ =	shalt  }
0x3f: {  	_ =	shalt  }
0x40: {  	_ =	shalt  }
0x41: {  	_ =	shalt  }
0x42: {  	_ =	shalt  }
0x43: {  	_ =	shalt  }
0x44: {  	_ =	shalt  }
0x45: {  	_ =	shalt  }
0x46: {  	_ =	shalt  }
0x47: {  	_ =	shalt  }
0x48: {  	_ =	shalt  }
0x49: {  	_ =	shalt  }
0x4a: {  	_ =	shalt  }
0x4b: {  	_ =	shalt  }
0x4c: {  	_ =	shalt  }
0x4d: {  	_ =	shalt  }
0x4e: {  	_ =	shalt  }
0x4f: {  	_ =	shalt  }
0x50: {  	_ =	shalt  }
0x51: {  	_ =	shalt  }
0x52: {  	_ =	shalt  }
0x53: {  	_ =	shalt  }
0x54: {  	_ =	shalt  }
0x55: {  	_ =	shalt  }
0x56: {  	_ =	shalt  }
0x57: {  	_ =	shalt  }
0x58: {  	_ =	shalt  }
0x59: {  	_ =	shalt  }
0x5a: {  	_ =	shalt  }
0x5b: {  	_ =	shalt  }
0x5c: {  	_ =	shalt  }
0x5d: {  	_ =	shalt  }
0x5e: {  	_ =	shalt  }
0x5f: {  	_ =	shalt  }
0x60: {  	_ =	shalt  }
0x61: {  	_ =	shalt  }
0x62: {  	_ =	shalt  }
0x63: {  	_ =	shalt  }
0x64: {  	_ =	shalt  }
0x65: {  	_ =	shalt  }
0x66: {  	_ =	shalt  }
0x67: {  	_ =	shalt  }
0x68: {  	_ =	shalt  }
0x69: {  	_ =	shalt  }
0x6a: {  	_ =	shalt  }
0x6b: {  	_ =	shalt  }
0x6c: {  	_ =	shalt  }
0x6d: {  	_ =	shalt  }
0x6e: {  	_ =	shalt  }
0x6f: {  	_ =	shalt  }
0x70: {  	_ =	shalt  }
0x71: {  	_ =	shalt  }
0x72: {  	_ =	shalt  }
0x73: {  	_ =	shalt  }
0x74: {  	_ =	shalt  }
0x75: {  	_ =	shalt  }
0x76: {  	_ =	shalt  }
0x77: {  	_ =	shalt  }
0x78: {  	_ =	shalt  }
0x79: {  	_ =	shalt  }
0x7a: {  	_ =	shalt  }
0x7b: {  	_ =	shalt  }
0x7c: {  	_ =	shalt  }
0x7d: {  	_ =	shalt  }
0x7e: {  	_ =	shalt  }
0x7f: {  	_ =	shalt  }
0x80: {  	_ =	shalt  }
0x81: {  	_ =	shalt  }
0x82: {  	_ =	shalt  }
0x83: {  	_ =	shalt  }
0x84: {  	_ =	shalt  }
0x85: {  	_ =	shalt  }
0x86: {  	_ =	shalt  }
0x87: {  	_ =	shalt  }
.Lfunc_end0:
.L_simem_size_0:
called_computation_lowered:
.L_overlay_start_0:
0x88: {  	s2 =	sld [smem:$0x3FD9]  }
0x89: {  	s3 =	sld [smem:$0x3FFE];
	_ =	sdelay $0x1  }
0x8a: {  	s1 =	srdreg.scid  }
0x8b: {  	s0 =	sand.u32 $0x1, s1  }
0x8c: {  	s17 =	sshll.u32 s0, $0xA;
	s2 =	sadd.s32 s3, s2  }
0x8d: {  	s2 =	sadd.s32 s2, s17  }
0x8e: {  	[smem:$0x3FC2] =	sst s2  }
0x8f: {  	_ = 	snop  }
0x90: {  	s2 =	sld [smem:$0x3FD0];
	(tm) =	ssettm $0x1  }
0x91: {  	s18 =	sld [smem:$0x3FFB];
	_ =	sdelay $0x3  }
0x92: {  	_ =	strace s18  }
0x93: {  	s3 =	sld [smem:$0x3FFC];
	_ =	sdelay $0x3  }
0x94: {  	_ =	strace s3  }
0x95: {  	s3 =	sld [smem:$0x3FFD];
	_ =	sdelay $0x3  }
0x96: {  	_ =	strace s3  }
0x97: {  	_ =	strace $0x8FFFFFFF  }
0x98: {  	s19 =	sld [smem:$0x3FDB];
	_ =	sdelay $0x1  }
0x99: {  	s4 =	simm.s32 $_scs_section_size  }
0x9a: {  	s5 =	simm.s32 $_size__tile_overlayer_lowered;
	s6 =	simm.s32 $_tile_overlayer_lowered  }
0x9b: {  	s22 =	simm.s32 $0x1BFF;
	s21 =	sshll.u32 s6, $0x1;
	s3 =	sadd.s32 s4, s19  }
0x9c: {  	s7 =	simm.s32 $0x0;
	s20 =	sshll.u32 s5, $0x1;
	s5 =	sadd.s32 s21, s3  }
0x9d: {  	[timem:s7], [sflag:s22] =	dma.local [hbm:s5], s20  }
0x9e: {  	_ =	swait.ge [sflag:s22], s20  }
0x9f: {  	s4 =	ssub.s32 $0x0, s20;
	[sflag:s22] =	ssyncset.done $0x0  }
0xa0: {  	[sflag:s22] =	ssyncadd.s32 s4;
	_ =	sdelay $0x1  }
0xa1: {  	s23 =	simm.s32 $0x1B8B  }
0xa2: {  	_ =	swait.ge [sflag:s23], $0x1  }
0xa3: {  	[sflag:s23] =	ssyncset.done $0x0  }
0xa4: {  	s25 =	simm.s32 $0x1B8E;
	s24 =	sld [smem:$0x3FFE];
	[sflag:s23] =	ssyncadd.s32 $0xFFFFFFFF  }
0xa5: {  	s26 =	simm.s32 $execute0_lowered;
	[smem:$0x3FD2] =	sst s25  }
0xa6: {  	s5 =	sshll.u32 s26, $0x1;
	_ =	strace $0x80000046;
	[dreg:$0x1] =	wrdreg $0xFFFFFFFF  }
0xa7: {  	s28 =	simm.s32 $_size_execute0_lowered;
	s3 =	sadd.s32 s3, s5;
	[dreg:$0x0] =	wrdreg $0x0  }
0xa8: {  	s5 =	sshll.u32 s28, $0x1;
	[dreg:$0x2] =	wrdreg s3  }
0xa9: {  	[dreg:$0x3] =	wrdreg s5  }
0xaa: {  	[dreg:$0x4] =	wrdreg $0xC0  }
0xab: {  	_ =	task [dreg:s7], $0x5FFFF  }
0xac: {  	[dreg:$0x1] =	wrdreg $0xFFFFFFFF  }
0xad: {  	[dreg:$0x0] =	wrdreg $0x60  }
0xae: {  	[dreg:$0x2] =	wrdreg s2  }
0xaf: {  	[dreg:$0x3] =	wrdreg s24  }
0xb0: {  	[dreg:$0x4] =	wrdreg $0x190000  }
0xb1: {  	[dreg:$0x5] =	wrdreg $0x9  }
0xb2: {  	_ =	task.clear_ibuf [dreg:s7], $0x6FFFF;
	_ =	strace $0x90000046  }
0xb3: {  	s29 =	simm.s32 $0x9;
	_ =	strace $0x80000048  }
0xb4: {  	_ =	swait.ge [sflag:s29], $0x1  }
0xb5: {  	[sflag:s29] =	ssyncadd.s32 $0xFFFFFFFF  }
0xb6: {  	_ =	strace $0x90000048  }
0xb7: {  	_ =	sfence  }
0xb8: {  	s30 =	sld [smem:$0x0];
	_ =	sdelay $0x2  }
0xb9: {  	s31 =	sshll.u32 s1, $0xD;
	s1 =	sshrl.u32 s1, $0x2  }
0xba: {  	s3 =	sand.u32 $0x4000, s31;
	s1 =	sadd.s32 s1, s30  }
0xbb: {  	s0 =	sor.u32 s3, s0;
	s1 =	sshll.u32 s1, $0x11  }
0xbc: {  	s0 =	sor.u32 s1, s0  }
0xbd: {  	s0 =	sadd.s32 $0x8F2B, s0  }
0xbe: {  	[sflag:s0] =	ssyncadd.remote.s32 $0x1  }
0xbf: {  	_ =	sfence.sel $0xFFFF  }
0xc0: {  	[dreg:$0x0] =	wrdreg $0xFFFFFFFF;
	(pc) =	sbr.abs _section_cstart, $3  }
0xc1: {  	[dreg:$0x1] =	wrdreg $0xFFFFFFFF  }
0xc2: {  	_ =	task.clear_ibuf [dreg:s7], $0x2FFFF;
	_ =	strace $0x9FFFFFFF  }
0xc3: {  	(tm) =	ssettm $0x7FFFFFFF  }
tec
execute0_lowered:
.L_overlay_start_1:
0x0: {  	(tag) =	ssettag $0x1  }
0x1: {  	s7 =	rddreg [dreg:$0x0]  }
0x2: {  	s3 =	rddreg [dreg:$0x1]  }
0x3: {  	s4 =	rddreg [dreg:$0x2]  }
0x4: {  	s0 =	rddreg [dreg:$0x3];
	s2 =	simm.s32 $0x0;
	s5 =	srdreg.scid  }
0x5: {  	s1 =	stileid.u32;
	s13 =	simm.s32 $0x14000;
	s14 =	simm.s32 $0x16400  }
0x6: {  	s15 =	simm.s32 $0x18C00;
	s16 =	simm.s32 $0x0;
	[smem:$0x7FF] =	sst s2  }
0x7: {  	s5 =	sand.u32 $0x1, s5;
	s8 =	sshrl.u32 s1, $0x3;
	s30 =	smul.u32 $0x5000, s1  }
0x8: {  	s9 =	sshll.u32 s1, $0x7;
	s11 =	sadd.s32 $0x1A00, s3;
	s31 =	smul.u32 $0x2780, s1  }
0x9: {  	_ =	strace $0x80000047;
	s6 =	ssub.s32 $0x2, s5;
	s8 =	smul.u32 $0x50000, s8  }
0xa: {  	s12 =	sadd.s32 s9, s3;
	p0 =	seq.s32 s5, $0x1;
	s5 =	sshll.u32 s5, $0xB  }
0xb: {  	s9 =	sand.u32 $0x380, s9;
	s10 =	sshrl.u32 s6, $0x1;
	s5 =	sadd.s32 s5, s12  }
0xc: {  	s7 =	smov.u32 @p0 s11;
	s11 =	simm.s32 $0x400;
	s12 =	simm.s32 $0x1400  }
0xd: {  	s6 =	ssub.s32 s6, s10;
	s29 =	sshrl.u32 s8, $0x2;
	s8 =	sshrl.u32 s30, $0x2  }
0xe: {  	s5 =	sadd.s32 $0x29200, s5;
	s7 =	sadd.s32 s7, s31;
	s10 =	simm.s32 $0x80  }
0xf: {  	s3 =	sadd.s32 s29, s4;
	s4 =	sadd.s32 s8, s4;
	s6 =	smax.u32 s6, $0x1  }
0x10: {  	v0 =	vimm.f32 $0.0e+00;
	s8 =	simm.s32 $0x1;
	s3 =	sadd.s32 s9, s3;
	s9 =	simm.s32 $0x13C00  }
.LBB2_1:
0x11: {  	s17 =	simm.s32 $0x40;
	s18 =	simm.s32 $0x0  }
.LBB2_2:
0x12: {  	p0 =	sne.s32 s17, $0x9FC0;
	[tilespmem:s18+$0x13C00] =	vst v0;
	s18 =	smov.u32 s17;
	s17 =	sadd.s32 $0x40, s17  }
.Ltmp0:
0x13: {  	(pc) =	sbr.rel @p0 .LBB2_2-.Ltmp0, $2  }
0x14: {  	_ =	sdelay $0x2  }
0x15: {  	s18 =	sshra.s32 s18, $0x2  }
0x16: {  	[tilespmem:s18+$0x13C00] =	vst v0;
	s17 =	simm.s32 $0x0  }
0x17: {  	[tilespmem:s17], [sflag:$0x1] =	stream.linear.gather [hbm4b:s7+s17], $0x13880, $0x38;
	[tilespmem:$0x1B800] =	vst v63  }
0x18: {  	_ =	swait.ge [sflag:s8], $0x13880  }
0x19: {  	[sflag:s8] =	ssyncset.done $0x0  }
0x1a: {  	s18 =	simm.s32 $0x0;
	s17 =	simm.s32 $0x200;
	[sflag:s8] =	ssyncadd.s32 $0xFFFEC780  }
.LBB2_4:
0x1b: {  	p0 =	sne.s32 s17, $0x4E000;
	v1 =	vld [tilespmem:s18+$0x0];
	_ =	sdelay $0x4  }
0x1c: {  	(xrf1) =	vunique.msk.u32 $0xffff, v1;
	_ =	sdelay $0xd  }
0x1d: {  	_, v2, vm0 =	vpop (xrf1);
	_ =	sdelay $0x1  }
.Ltmp1:
0x1e: {  	(pc) =	sbr.rel @p0 .LBB2_4-.Ltmp1, $3  }
0x1f: {  	_ = 	snop  }
0x20: {  	v2 =	vcvt.s32.f32 v2;
	_ =	sdelay $0x1  }
0x21: {  	s18 =	sshra.s32 s17, $0x2;
	s17 =	sadd.s32 $0x200, s17;
	[tilespmem:v1+s9+$0x0] =	vst.idx.add.f32.msk vm0, v2  }
0x22: {  	v1 =	vld [tilespmem:s18+$0x0];
	_ =	sdelay $0x4  }
0x23: {  	(xrf1) =	vunique.msk.u32 $0xffff, v1;
	_ =	sdelay $0xd  }
0x24: {  	_, v2, vm0 =	vpop (xrf1);
	_ =	sdelay $0x3  }
0x25: {  	v2 =	vcvt.s32.f32 v2;
	_ =	sdelay $0x1  }
0x26: {  	[tilespmem:v1+s9+$0x0] =	vst.idx.add.f32.msk vm0, v2  }
0x27: {  	[spmem:s3] =	stream.strided.scatter [tilespmem:s9], [sflag:$0x1], $0x2800, s11, s10, $0x38;
	[tilespmem:$0x1B800] =	vst v63  }
0x28: {  	_ =	swait.ge [sflag:s8], $0x2800  }
0x29: {  	[sflag:s8] =	ssyncset.done $0x0  }
0x2a: {  	[sflag:s8] =	ssyncadd.s32 $0xFFFFD800  }
0x2b: {  	[bflag:$0x0] =	sbarrier.arrive $0xFFFF  }
0x2c: {  	[tilespmem:s14], [sflag:$0x1] =	stream.strided.gather [spmem:s4], $0x2800, s13, s12, $0x38;
	[tilespmem:$0x1B800] =	vst v63  }
0x2d: {  	s31 =	simm.s32 $0x0;
	_ =	swait.ge [sflag:s8], $0x2800  }
0x2e: {  	s21 =	sand.u32 $0x70, s31;
	s17 =	sand.u32 $0x1C00, s31;
	[sflag:s8] =	ssyncset.done $0x0  }
0x2f: {  	s17 =	sor.u32 s21, s17;
	[sflag:s8] =	ssyncadd.s32 $0xFFFFD800  }
0x30: {  	v1 =	vld [tilespmem:s17+$0x16400];
	_ =	sdelay $0x1  }
0x31: {  	v2 =	vld [tilespmem:s17+$0x16480];
	_ =	sdelay $0x1  }
0x32: {  	v3 =	vld [tilespmem:s17+$0x16500]  }
0x33: {  	v1 =	vadd.f32 $0.0e+00, v1  }
0x34: {  	v4 =	vld [tilespmem:s17+$0x16580]  }
0x35: {  	v1 =	vadd.f32 v2, v1  }
0x36: {  	v2 =	vld [tilespmem:s17+$0x16600]  }
0x37: {  	v1 =	vadd.f32 v3, v1  }
0x38: {  	v3 =	vld [tilespmem:s17+$0x16680]  }
0x39: {  	v1 =	vadd.f32 v4, v1  }
0x3a: {  	v60 =	vld [tilespmem:s17+$0x16700]  }
0x3b: {  	v1 =	vadd.f32 v2, v1  }
0x3c: {  	v2 =	vld [tilespmem:s17+$0x16780]  }
0x3d: {  	v1 =	vadd.f32 v3, v1  }
0x3e: {  	v3 =	vld [tilespmem:s17+$0x17800]  }
0x3f: {  	v1 =	vadd.f32 v60, v1  }
0x40: {  	v61 =	vld [tilespmem:s17+$0x17880]  }
0x41: {  	v1 =	vadd.f32 v2, v1  }
0x42: {  	v2 =	vld [tilespmem:s17+$0x17900]  }
0x43: {  	v1 =	vadd.f32 v3, v1  }
0x44: {  	v3 =	vld [tilespmem:s17+$0x17980]  }
0x45: {  	v1 =	vadd.f32 v61, v1  }
0x46: {  	v62 =	vld [tilespmem:s17+$0x17A00]  }
0x47: {  	v1 =	vadd.f32 v2, v1  }
0x48: {  	v2 =	vld [tilespmem:s17+$0x17A80]  }
0x49: {  	v1 =	vadd.f32 v3, v1  }
0x4a: {  	v3 =	vld [tilespmem:s17+$0x17B00]  }
0x4b: {  	v1 =	vadd.f32 v62, v1  }
0x4c: {  	v63 =	vld [tilespmem:s17+$0x17B80]  }
0x4d: {  	v1 =	vadd.f32 v2, v1;
	_ =	sdelay $0x1  }
0x4e: {  	v1 =	vadd.f32 v3, v1  }
0x4f: {  	s18 =	simm.s32 $0x10;
	s20 =	simm.s32 $0x80;
	s19 =	sand.u32 $0xE00, s31  }
0x50: {  	s22 =	sand.u32 $0x70, s18;
	s24 =	sshrl.u32 s19, $0x2;
	s19 =	simm.s32 $0x80;
	v1 =	vadd.f32 v63, v1  }
0x51: {  	s23 =	sand.u32 $0x1C00, s19;
	s21 =	sor.u32 s21, s24;
	s17 =	simm.s32 $0x40  }
.LBB2_6:
0x52: {  	p0 =	sne.s32 s20, $0x9C0;
	s23 =	sor.u32 s22, s23;
	[tilespmem:s21+$0x18C00] =	vst v1;
	s21 =	smov.u32 s22  }
0x53: {  	v1 =	vld [tilespmem:s23+$0x16400];
	_ =	sdelay $0x1  }
0x54: {  	v2 =	vld [tilespmem:s23+$0x16480];
	_ =	sdelay $0x1  }
0x55: {  	v3 =	vld [tilespmem:s23+$0x16500]  }
0x56: {  	v1 =	vadd.f32 $0.0e+00, v1  }
0x57: {  	v4 =	vld [tilespmem:s23+$0x16580]  }
0x58: {  	v1 =	vadd.f32 v2, v1  }
0x59: {  	v2 =	vld [tilespmem:s23+$0x16600]  }
0x5a: {  	v1 =	vadd.f32 v3, v1  }
0x5b: {  	v3 =	vld [tilespmem:s23+$0x16680]  }
0x5c: {  	v1 =	vadd.f32 v4, v1  }
0x5d: {  	v4 =	vld [tilespmem:s23+$0x16700]  }
0x5e: {  	v1 =	vadd.f32 v2, v1  }
0x5f: {  	v2 =	vld [tilespmem:s23+$0x16780]  }
0x60: {  	v1 =	vadd.f32 v3, v1  }
0x61: {  	v3 =	vld [tilespmem:s23+$0x17800]  }
0x62: {  	v1 =	vadd.f32 v4, v1  }
0x63: {  	v4 =	vld [tilespmem:s23+$0x17880]  }
0x64: {  	v1 =	vadd.f32 v2, v1  }
0x65: {  	v2 =	vld [tilespmem:s23+$0x17900]  }
0x66: {  	v1 =	vadd.f32 v3, v1  }
0x67: {  	v3 =	vld [tilespmem:s23+$0x17980]  }
0x68: {  	v1 =	vadd.f32 v4, v1  }
0x69: {  	v4 =	vld [tilespmem:s23+$0x17A00]  }
0x6a: {  	v1 =	vadd.f32 v2, v1  }
0x6b: {  	v2 =	vld [tilespmem:s23+$0x17A80]  }
0x6c: {  	v1 =	vadd.f32 v3, v1  }
0x6d: {  	v3 =	vld [tilespmem:s23+$0x17B00]  }
0x6e: {  	v1 =	vadd.f32 v4, v1  }
0x6f: {  	v4 =	vld [tilespmem:s23+$0x17B80]  }
0x70: {  	v1 =	vadd.f32 v2, v1  }
.Ltmp2:
0x71: {  	(pc) =	sbr.rel @p0 .LBB2_6-.Ltmp2, $4  }
0x72: {  	v1 =	vadd.f32 v3, v1  }
0x73: {  	s18 =	sadd.s32 $0x10, s18;
	s23 =	sand.u32 $0xE00, s17;
	s17 =	smov.u32 s20  }
0x74: {  	s19 =	sadd.s32 $0x80, s19;
	s22 =	sand.u32 $0x70, s18;
	s24 =	sshrl.u32 s23, $0x2;
	v1 =	vadd.f32 v4, v1  }
0x75: {  	s20 =	sadd.s32 $0x40, s20;
	s23 =	sand.u32 $0x1C00, s19;
	s21 =	sor.u32 s21, s24  }
0x76: {  	s18 =	sor.u32 s22, s23;
	[tilespmem:s21+$0x18C00] =	vst v1  }
0x77: {  	v1 =	vld [tilespmem:s18+$0x16400];
	_ =	sdelay $0x1  }
0x78: {  	v2 =	vld [tilespmem:s18+$0x16480];
	_ =	sdelay $0x1  }
0x79: {  	v3 =	vld [tilespmem:s18+$0x16500]  }
0x7a: {  	v1 =	vadd.f32 $0.0e+00, v1  }
0x7b: {  	v4 =	vld [tilespmem:s18+$0x16580]  }
0x7c: {  	v1 =	vadd.f32 v2, v1  }
0x7d: {  	v2 =	vld [tilespmem:s18+$0x16600]  }
0x7e: {  	v1 =	vadd.f32 v3, v1  }
0x7f: {  	v3 =	vld [tilespmem:s18+$0x16680]  }
0x80: {  	v1 =	vadd.f32 v4, v1  }
0x81: {  	v60 =	vld [tilespmem:s18+$0x16700]  }
0x82: {  	v1 =	vadd.f32 v2, v1  }
0x83: {  	v2 =	vld [tilespmem:s18+$0x16780]  }
0x84: {  	v1 =	vadd.f32 v3, v1  }
0x85: {  	v3 =	vld [tilespmem:s18+$0x17800]  }
0x86: {  	v1 =	vadd.f32 v60, v1  }
0x87: {  	v61 =	vld [tilespmem:s18+$0x17880]  }
0x88: {  	v1 =	vadd.f32 v2, v1  }
0x89: {  	v2 =	vld [tilespmem:s18+$0x17900]  }
0x8a: {  	v1 =	vadd.f32 v3, v1  }
0x8b: {  	v3 =	vld [tilespmem:s18+$0x17980]  }
0x8c: {  	v1 =	vadd.f32 v61, v1  }
0x8d: {  	v62 =	vld [tilespmem:s18+$0x17A00]  }
0x8e: {  	v1 =	vadd.f32 v2, v1  }
0x8f: {  	v2 =	vld [tilespmem:s18+$0x17A80]  }
0x90: {  	v1 =	vadd.f32 v3, v1  }
0x91: {  	v3 =	vld [tilespmem:s18+$0x17B00]  }
0x92: {  	v1 =	vadd.f32 v62, v1  }
0x93: {  	v63 =	vld [tilespmem:s18+$0x17B80]  }
0x94: {  	v1 =	vadd.f32 v2, v1;
	_ =	sdelay $0x1  }
0x95: {  	v1 =	vadd.f32 v3, v1  }
0x96: {  	s17 =	sand.u32 $0xE00, s17  }
0x97: {  	s16 =	sadd.s32 $0x1, s16;
	s17 =	sshrl.u32 s17, $0x2;
	v1 =	vadd.f32 v63, v1  }
0x98: {  	p0 =	sne.s32 s16, s6;
	s17 =	sor.u32 s22, s17  }
.Ltmp3:
0x99: {  	[tilespmem:s17+$0x18C00] =	vst v1;
	(pc) =	sbr.rel @p0 .LBB2_1-.Ltmp3, $4  }
0x9a: {  	[hbm4b:s5+s2] =	stream.linear.scatter [tilespmem:s15], [sflag:$0x1], $0x280, $0x38;
	[tilespmem:$0x1B800] =	vst v63  }
0x9b: {  	_ =	swait.ge [sflag:s8], $0x280  }
0x9c: {  	[sflag:s8] =	ssyncset.done $0x0  }
0x9d: {  	[sflag:s8] =	ssyncadd.s32 $0xFFFFFD80  }
0x9e: {  	_ =	sfence.sel $0x180000  }
0x9f: {  	[bflag:$0x0] =	sbarrier.arrive $0xFFFF  }
0xa0: {  	p0 =	sne.s32 s1, $0x0;
	_ =	strace $0x90000047  }
0xa1: {  	s0 =	sadd.s32 @!p0 $0x100000, s0;
	[bflag:$0x2] =	sbarrier.arrive $0xFFFF  }
0xa2: {  	[sflag:s0] =	ssyncadd.tile.s32 @!p0 $0x1;
	_ =	shalt  }
.Lfunc_end2:
_tile_overlayer_lowered:
.L_overlay_start_2:
0xa3: {  	(tag) =	ssettag $0x2  }
0xa4: {  	s0 =	rddreg [dreg:$0x0];
	s2 =	stileid.u32  }
0xa5: {  	s1 =	rddreg [dreg:$0x1];
	p0 =	sne.s32 s2, $0x0  }
0xa6: {  	s3 =	rddreg [dreg:$0x2];
	[bflag:$0x3] =	sbarrier.arrive $0xFFFF;
	s2 =	simm.s32 @!p0 $0x1C01  }
0xa7: {  	[timem:s3], [sflag:s2] =	dma.local @!p0 [hbm:s0], s1  }
0xa8: {  	s0 =	simm.s32 @!p0 $0x1  }
0xa9: {  	_ =	swait.ge @!p0 [sflag:s0], s1  }
0xaa: {  	s1 =	ssub.s32 @!p0 $0x0, s1;
	[sflag:s0] =	ssyncset.done @!p0 $0x0  }
0xab: {  	[sflag:s0] =	ssyncadd.s32 @!p0 s1  }
0xac: {  	[bflag:$0x3] =	sbarrier.arrive $0xFFFF  }
0xad: {  	_ =	shalt  }

</sc_bundles>
